<compile_context>
chip_gen: v7x
topology: tpu7x:2x2x1
jax: 0.10.2.dev20260603
libtpu: 0.0.44.dev20260713+nightly
codegen_flags: <defaults>
</compile_context>

<pallas_src>
import functools

import jax
import jax.numpy as jnp
from jax import lax
from jax.experimental import pallas as pl
from jax.experimental.pallas import tpu as pltpu
from jax.experimental.pallas import tpu_sc as plsc

B, D, E = 8192, 1024, 8
H, INV, SPEC = 128, 64, 32
H2 = H // 2
TILE = 2048
NG = E // 2
NSA = 2


def _k1_body(x_ref, Wi1_ref, bi1_ref, Ws1_ref, bs1_ref, Wi2_ref, bi2_ref,
             Wp_ref, bp_ref, Wd1_ref, bd1_ref, Wd2_ref, bd2_ref,
             Ws2_ref, bs2_ref,
             logits_ref, inv_ref, dl_ref, sa_ref):
    f32 = jnp.float32
    bf16 = jnp.bfloat16
    xb = x_ref[...].astype(bf16)
    Wall = jnp.concatenate(
        [Wi1_ref[...].astype(bf16)] + [Ws1_ref[e].astype(bf16) for e in range(E)],
        axis=1)
    hraw = jnp.dot(xb, Wall, preferred_element_type=f32)

    h1 = jnp.maximum(hraw[:, :H] + bi1_ref[...], 0.0)
    inv = jnp.dot(h1, Wi2_ref[...], preferred_element_type=f32) + bi2_ref[...]
    inv_ref[...] = inv
    logits_ref[...] = jnp.dot(inv, Wp_ref[...], preferred_element_type=f32) + bp_ref[...]
    dh = jnp.maximum(
        jnp.dot(inv, Wd1_ref[...], preferred_element_type=f32) + bd1_ref[...],
        0.0)
    dl_ref[...] = jnp.dot(dh, Wd2_ref[...], preferred_element_type=f32) + bd2_ref[...]

    for g in range(NSA):
        parts = []
        for q in range(4):
            e = 4 * g + q
            hse = jnp.maximum(
                hraw[:, H + H2 * e: H + H2 * (e + 1)] + bs1_ref[e][None, :],
                0.0)
            parts.append(
                jnp.dot(hse, Ws2_ref[e], preferred_element_type=f32)
                + bs2_ref[e][None, :])
        sa_ref[g] = jnp.concatenate(parts, axis=1)


_TOK_PER_W = 256
_CH = 128


def _sc_gather_body(env_hbm, tab_hbm, out_hbm, env_v, idx_v, rows_v, sem):
    info = plsc.get_sparse_core_info()
    nc = info.num_cores
    wid = lax.axis_index("s") * nc + lax.axis_index("c")
    base = wid * _TOK_PER_W
    pltpu.sync_copy(env_hbm.at[pl.ds(wid * 2, 2)], env_v)
    for j in range(2):
        for k in range(_CH // 16):
            env16 = env_v[j, pl.ds(k * 16, 16)]
            t16 = base + j * _CH + k * 16 + lax.iota(jnp.int32, 16)
            idx_v[j, pl.ds(k * 16, 16)] = (
                lax.shift_right_logical(env16, 2) * B + t16)
    h0 = pltpu.async_copy(tab_hbm.at[idx_v.at[0]], rows_v.at[0], sem)
    h1 = pltpu.async_copy(tab_hbm.at[idx_v.at[1]], rows_v.at[1], sem)
    h0.wait()
    pltpu.sync_copy(rows_v.at[0], out_hbm.at[pl.ds(base, _CH)])
    h1.wait()
    pltpu.sync_copy(rows_v.at[1], out_hbm.at[pl.ds(base + _CH, _CH)])


def _ksel_body(env_ref, cand_ref, spec_ref):
    env = env_ref[...]
    cb = cand_ref[...]
    q = env & 3
    acc = jnp.zeros((TILE, SPEC), dtype=jnp.float32)
    for v in range(4):
        acc = acc + jnp.where(q == v, cb[:, SPEC * v: SPEC * (v + 1)], 0.0)
    spec_ref[...] = acc


def kernel(x, environments, Wi1, bi1, Wi2, bi2, Ws1, bs1, Ws2, bs2,
           Wp, bp, Wd1, bd1, Wd2, bd2):
    f32 = jnp.float32
    grid = (B // TILE,)
    row_spec = lambda w: pl.BlockSpec((TILE, w), lambda i: (i, 0))
    full = lambda a: pl.BlockSpec(a.shape, lambda i: (0,) * a.ndim)

    bi1r = bi1.reshape(1, H)
    bi2r = bi2.reshape(1, INV)
    bpr = bp.reshape(1, 1)
    bd1r = bd1.reshape(1, H2)
    bd2r = bd2.reshape(1, E)

    logits, inv, dl, SpecAll = pl.pallas_call(
        _k1_body,
        grid=grid,
        in_specs=[
            row_spec(D),
            full(Wi1), full(bi1r), full(Ws1), full(bs1),
            full(Wi2), full(bi2r),
            full(Wp), full(bpr),
            full(Wd1), full(bd1r),
            full(Wd2), full(bd2r),
            full(Ws2), full(bs2),
        ],
        out_specs=[
            row_spec(1), row_spec(INV), row_spec(E),
            pl.BlockSpec((NSA, TILE, 128), lambda i: (0, i, 0)),
        ],
        out_shape=[
            jax.ShapeDtypeStruct((B, 1), f32),
            jax.ShapeDtypeStruct((B, INV), f32),
            jax.ShapeDtypeStruct((B, E), f32),
            jax.ShapeDtypeStruct((NSA, B, 128), f32),
        ],
    )(x, Wi1, bi1r, Ws1, bs1, Wi2, bi2r, Wp, bpr, Wd1, bd1r, Wd2, bd2r,
      Ws2, bs2)

    tab = SpecAll.reshape(NSA * B, 128)
    env2d = environments.reshape(B // 128, 128)

    sc_gather = functools.partial(
        pl.kernel,
        mesh=plsc.VectorSubcoreMesh(core_axis_name="c", subcore_axis_name="s"),
        out_type=jax.ShapeDtypeStruct((B, 128), f32),
        scratch_types=[
            pltpu.VMEM((2, _CH), jnp.int32),
            pltpu.VMEM((2, _CH), jnp.int32),
            pltpu.VMEM((2, _CH, 128), f32),
            pltpu.SemaphoreType.DMA,
        ],
    )(_sc_gather_body)
    cand4 = sc_gather(env2d, tab)

    spec = pl.pallas_call(
        _ksel_body,
        grid=grid,
        in_specs=[row_spec(1), row_spec(128)],
        out_specs=row_spec(SPEC),
        out_shape=jax.ShapeDtypeStruct((B, SPEC), f32),
    )(environments.reshape(B, 1), cand4)

    return (logits, inv, spec, dl)

# --- scband reference (transcript-rebuilt; emitter-appended) ---
"""Pipeline reference for scband-multi-environment-predictor-39642548142647 (READ-ONLY COPY).

The authoritative reference and input builder live on the scoring server;
editing this copy changes nothing except your own understanding.
"""

import jax, jax.numpy as jnp
import numpy as np

B, D, E = 8192, 1024, 8
H, INV, SPEC = 128, 64, 32

def setup_inputs(seed: int = 0) -> dict:
    key = jax.random.key(seed)
    ks = jax.random.split(key, 20)
    s = 0.02
    inp = {}
    inp['x'] = jax.random.normal(ks[0], (B, D), dtype=jnp.float32)
    inp['environments'] = jax.random.randint(ks[1], (B,), 0, E, dtype=jnp.int32)
    # invariant encoder: Linear(D,H) -> ReLU -> Linear(H,INV)
    inp['Wi1'] = jax.random.normal(ks[2], (D, H), dtype=jnp.float32) * s
    inp['bi1'] = jnp.zeros((H,), dtype=jnp.float32)
    inp['Wi2'] = jax.random.normal(ks[3], (H, INV), dtype=jnp.float32) * s
    inp['bi2'] = jnp.zeros((INV,), dtype=jnp.float32)
    # E environment-specific encoders: Linear(D,H//2) -> ReLU -> Linear(H//2,SPEC)
    inp['Ws1'] = jax.random.normal(ks[4], (E, D, H // 2), dtype=jnp.float32) * s
    inp['bs1'] = jnp.zeros((E, H // 2), dtype=jnp.float32)
    inp['Ws2'] = jax.random.normal(ks[5], (E, H // 2, SPEC), dtype=jnp.float32) * s
    inp['bs2'] = jnp.zeros((E, SPEC), dtype=jnp.float32)
    # invariant predictor: Linear(INV, 1)
    inp['Wp'] = jax.random.normal(ks[6], (INV, 1), dtype=jnp.float32) * s
    inp['bp'] = jnp.zeros((1,), dtype=jnp.float32)
    # domain discriminator: Linear(INV, H//2) -> ReLU -> Linear(H//2, E)
    inp['Wd1'] = jax.random.normal(ks[7], (INV, H // 2), dtype=jnp.float32) * s
    inp['bd1'] = jnp.zeros((H // 2,), dtype=jnp.float32)
    inp['Wd2'] = jax.random.normal(ks[8], (H // 2, E), dtype=jnp.float32) * s
    inp['bd2'] = jnp.zeros((E,), dtype=jnp.float32)
    return inp

def reference(x, environments, Wi1, bi1, Wi2, bi2, Ws1, bs1, Ws2, bs2, Wp, bp, Wd1, bd1, Wd2, bd2):
    # invariant encoder
    invariant = jnp.maximum(x @ Wi1 + bi1, 0.0) @ Wi2 + bi2
    # environment-specific encoders: per-env MLP applied only to tokens of that env,
    # scattered back into a full [B, SPEC] buffer and summed (masked dense equivalent)
    n_env = Ws1.shape[0]
    specific = jnp.zeros((x.shape[0], Ws2.shape[-1]), dtype=x.dtype)
    for i in range(n_env):
        mask = (environments == i)
        h = jnp.maximum(x @ Ws1[i] + bs1[i], 0.0)
        out_i = h @ Ws2[i] + bs2[i]
        specific = specific + jnp.where(mask[:, None], out_i, jnp.zeros_like(out_i))
    # use_invariant_only=True path
    logits = invariant @ Wp + bp
    # domain discriminator on invariant features
    dh = jnp.maximum(invariant @ Wd1 + bd1, 0.0)
    domain_logits = dh @ Wd2 + bd2
    return (logits, invariant, specific, domain_logits)

if __name__ == "__main__":
    import jax
    _d = setup_inputs()
    print(jax.jit(kernel)(*tuple(_d.values())))

</pallas_src>

<mosaic_0001>
#map = affine_map<(d0, d1) -> (0, 0)>
module attributes {stable_mosaic.version = 14 : i64} {
  func.func @_sc_gather_body(%arg0: i32, %arg1: i32, %arg2: memref<64x128xi32, #tpu.memory_space<hbm>>, %arg3: memref<16384x128xf32, #tpu.memory_space<hbm>>, %arg4: memref<8192x128xf32, #tpu.memory_space<hbm>>, %arg5: memref<2x128xi32, #tpu.memory_space<vmem>>, %arg6: memref<2x128xi32, #tpu.memory_space<vmem>>, %arg7: memref<2x128x128xf32, #tpu.memory_space<vmem>>, %arg8: memref<!tpu.dma_semaphore, #tpu.memory_space<semaphore_mem>>) attributes {dimension_semantics = [#tpu.dimension_semantics<core_parallel>, #tpu.dimension_semantics<subcore_parallel>], iteration_bounds = array<i64: 2, 16>, scalar_prefetch = 0 : i64, scratch_operands = 4 : i64, tpu.core_type = #tpu.core_type<sc_vector_subcore>, window_params = [{transform_indices = #map}, {transform_indices = #map}, {transform_indices = #map}]} {
    %mul3A = arith.constant 2 : i32
    %mul3A_0 = arith.muli %arg1, %mul3A : i32
    %add3A = arith.addi %mul3A_0, %arg0 : i32
    %mul3A_1 = arith.constant 256 : i32
    %mul3A_2 = arith.muli %add3A, %mul3A_1 : i32
    %mul3A_3 = arith.constant 2 : i32
    %mul3A_4 = arith.muli %add3A, %mul3A_3 : i32
    "tpu.region"() ({
      %run_scoped3A_450 = tpu.sem_alloc : memref<!tpu.dma_semaphore, #tpu.memory_space<semaphore_mem>>
      %dma_start3A_451 = arith.constant 0 : i32
      %dma_start3A_452 = tpu.memref_slice %arg2[%mul3A_4, %dma_start3A_451] : memref<64x128xi32, #tpu.memory_space<hbm>> -> memref<2x128xi32, #tpu.memory_space<hbm>>
      %dma_start3A_453 = arith.constant 0 : i32
      %dma_start3A_454 = tpu.memref_slice %arg2[%mul3A_4, %dma_start3A_453] : memref<64x128xi32, #tpu.memory_space<hbm>> -> memref<2x128xi32, #tpu.memory_space<hbm>>
      tpu.enqueue_dma source(%dma_start3A_454 : memref<2x128xi32, #tpu.memory_space<hbm>>) target(%arg5 : memref<2x128xi32, #tpu.memory_space<vmem>>) target_semaphore(%run_scoped3A_450 : memref<!tpu.dma_semaphore, #tpu.memory_space<semaphore_mem>>)
      %dma_wait3A_455 = arith.constant 0 : i32
      %dma_wait3A_456 = tpu.memref_slice %arg2[%mul3A_4, %dma_wait3A_455] : memref<64x128xi32, #tpu.memory_space<hbm>> -> memref<2x128xi32, #tpu.memory_space<hbm>>
      %dma_wait3A_457 = arith.constant 0 : i32
      %dma_wait3A_458 = tpu.memref_slice %arg2[%mul3A_4, %dma_wait3A_457] : memref<64x128xi32, #tpu.memory_space<hbm>> -> memref<2x128xi32, #tpu.memory_space<hbm>>
      tpu.wait_dma2 semaphore(%run_scoped3A_450 : memref<!tpu.dma_semaphore, #tpu.memory_space<semaphore_mem>>) src(%dma_wait3A_458 : memref<2x128xi32, #tpu.memory_space<hbm>>) dst(%arg5 : memref<2x128xi32, #tpu.memory_space<vmem>>)
      tpu.yield
    }) : () -> ()
    %get3A = arith.constant 0 : i32
    %get3A_5 = arith.index_cast %get3A : i32 to index
    %get3A_6 = arith.constant 0 : index
    %get3A_7 = tpu.vector_load %arg5[%get3A_5, %get3A_6] {strides = array<i32>} : memref<2x128xi32, #tpu.memory_space<vmem>>, vector<1x16xi32>,
    %get3A_8 = vector.shape_cast %get3A_7 : vector<1x16xi32> to vector<16xi32>
    %add3A_9 = arith.constant 0 : i32
    %add3A_10 = arith.addi %mul3A_2, %add3A_9 : i32
    %add3A_11 = arith.constant 0 : i32
    %add3A_12 = arith.addi %add3A_10, %add3A_11 : i32
    %iota3A = tpu.iota {dimensions = array<i32: 0>} : vector<16xi32>
    %add3A_13 = vector.broadcast %add3A_12 : i32 to vector<16xi32>
    %add3A_14 = arith.addi %add3A_13, %iota3A : vector<16xi32>
    %shift_right_logical3A = arith.constant 2 : i32
    %shift_right_logical3A_15 = vector.broadcast %shift_right_logical3A : i32 to vector<16xi32>
    %shift_right_logical3A_16 = arith.shrui %get3A_8, %shift_right_logical3A_15 : vector<16xi32>
    %mul3A_17 = arith.constant 8192 : i32
    %mul3A_18 = vector.broadcast %mul3A_17 : i32 to vector<16xi32>
    %mul3A_19 = arith.muli %shift_right_logical3A_16, %mul3A_18 : vector<16xi32>
    %add3A_20 = arith.addi %mul3A_19, %add3A_14 : vector<16xi32>
    %swap3A = arith.constant 0 : i32
    %swap3A_21 = arith.index_cast %swap3A : i32 to index
    %swap3A_22 = arith.constant 0 : index
    %swap3A_23 = tpu.vector_load %arg6[%swap3A_21, %swap3A_22] {strides = array<i32>} : memref<2x128xi32, #tpu.memory_space<vmem>>, vector<1x16xi32>,
    %swap3A_24 = vector.shape_cast %swap3A_23 : vector<1x16xi32> to vector<16xi32>
    %swap3A_25 = vector.shape_cast %add3A_20 : vector<16xi32> to vector<1x16xi32>
    tpu.vector_store %arg6[%swap3A_21, %swap3A_22], %swap3A_25 {strides = array<i32>} : memref<2x128xi32, #tpu.memory_space<vmem>>, vector<1x16xi32>,
    %get3A_26 = arith.constant 0 : i32
    %get3A_27 = arith.index_cast %get3A_26 : i32 to index
    %get3A_28 = arith.constant 16 : index
    %get3A_29 = tpu.vector_load %arg5[%get3A_27, %get3A_28] {strides = array<i32>} : memref<2x128xi32, #tpu.memory_space<vmem>>, vector<1x16xi32>,
    %get3A_30 = vector.shape_cast %get3A_29 : vector<1x16xi32> to vector<16xi32>
    %add3A_31 = arith.constant 0 : i32
    %add3A_32 = arith.addi %mul3A_2, %add3A_31 : i32
    %add3A_33 = arith.constant 16 : i32
    %add3A_34 = arith.addi %add3A_32, %add3A_33 : i32
    %iota3A_35 = tpu.iota {dimensions = array<i32: 0>} : vector<16xi32>
    %add3A_36 = vector.broadcast %add3A_34 : i32 to vector<16xi32>
    %add3A_37 = arith.addi %add3A_36, %iota3A_35 : vector<16xi32>
    %shift_right_logical3A_38 = arith.constant 2 : i32
    %shift_right_logical3A_39 = vector.broadcast %shift_right_logical3A_38 : i32 to vector<16xi32>
    %shift_right_logical3A_40 = arith.shrui %get3A_30, %shift_right_logical3A_39 : vector<16xi32>
    %mul3A_41 = arith.constant 8192 : i32
    %mul3A_42 = vector.broadcast %mul3A_41 : i32 to vector<16xi32>
    %mul3A_43 = arith.muli %shift_right_logical3A_40, %mul3A_42 : vector<16xi32>
    %add3A_44 = arith.addi %mul3A_43, %add3A_37 : vector<16xi32>
    %swap3A_45 = arith.constant 0 : i32
    %swap3A_46 = arith.index_cast %swap3A_45 : i32 to index
    %swap3A_47 = arith.constant 16 : index
    %swap3A_48 = tpu.vector_load %arg6[%swap3A_46, %swap3A_47] {strides = array<i32>} : memref<2x128xi32, #tpu.memory_space<vmem>>, vector<1x16xi32>,
    %swap3A_49 = vector.shape_cast %swap3A_48 : vector<1x16xi32> to vector<16xi32>
    %swap3A_50 = vector.shape_cast %add3A_44 : vector<16xi32> to vector<1x16xi32>
    tpu.vector_store %arg6[%swap3A_46, %swap3A_47], %swap3A_50 {strides = array<i32>} : memref<2x128xi32, #tpu.memory_space<vmem>>, vector<1x16xi32>,
    %get3A_51 = arith.constant 0 : i32
    %get3A_52 = arith.index_cast %get3A_51 : i32 to index
    %get3A_53 = arith.constant 32 : index
    %get3A_54 = tpu.vector_load %arg5[%get3A_52, %get3A_53] {strides = array<i32>} : memref<2x128xi32, #tpu.memory_space<vmem>>, vector<1x16xi32>,
    %get3A_55 = vector.shape_cast %get3A_54 : vector<1x16xi32> to vector<16xi32>
    %add3A_56 = arith.constant 0 : i32
    %add3A_57 = arith.addi %mul3A_2, %add3A_56 : i32
    %add3A_58 = arith.constant 32 : i32
    %add3A_59 = arith.addi %add3A_57, %add3A_58 : i32
    %iota3A_60 = tpu.iota {dimensions = array<i32: 0>} : vector<16xi32>
    %add3A_61 = vector.broadcast %add3A_59 : i32 to vector<16xi32>
    %add3A_62 = arith.addi %add3A_61, %iota3A_60 : vector<16xi32>
    %shift_right_logical3A_63 = arith.constant 2 : i32
    %shift_right_logical3A_64 = vector.broadcast %shift_right_logical3A_63 : i32 to vector<16xi32>
    %shift_right_logical3A_65 = arith.shrui %get3A_55, %shift_right_logical3A_64 : vector<16xi32>
    %mul3A_66 = arith.constant 8192 : i32
    %mul3A_67 = vector.broadcast %mul3A_66 : i32 to vector<16xi32>
    %mul3A_68 = arith.muli %shift_right_logical3A_65, %mul3A_67 : vector<16xi32>
    %add3A_69 = arith.addi %mul3A_68, %add3A_62 : vector<16xi32>
    %swap3A_70 = arith.constant 0 : i32
    %swap3A_71 = arith.index_cast %swap3A_70 : i32 to index
    %swap3A_72 = arith.constant 32 : index
    %swap3A_73 = tpu.vector_load %arg6[%swap3A_71, %swap3A_72] {strides = array<i32>} : memref<2x128xi32, #tpu.memory_space<vmem>>, vector<1x16xi32>,
    %swap3A_74 = vector.shape_cast %swap3A_73 : vector<1x16xi32> to vector<16xi32>
    %swap3A_75 = vector.shape_cast %add3A_69 : vector<16xi32> to vector<1x16xi32>
    tpu.vector_store %arg6[%swap3A_71, %swap3A_72], %swap3A_75 {strides = array<i32>} : memref<2x128xi32, #tpu.memory_space<vmem>>, vector<1x16xi32>,
    %get3A_76 = arith.constant 0 : i32
    %get3A_77 = arith.index_cast %get3A_76 : i32 to index
    %get3A_78 = arith.constant 48 : index
    %get3A_79 = tpu.vector_load %arg5[%get3A_77, %get3A_78] {strides = array<i32>} : memref<2x128xi32, #tpu.memory_space<vmem>>, vector<1x16xi32>,
    %get3A_80 = vector.shape_cast %get3A_79 : vector<1x16xi32> to vector<16xi32>
    %add3A_81 = arith.constant 0 : i32
    %add3A_82 = arith.addi %mul3A_2, %add3A_81 : i32
    %add3A_83 = arith.constant 48 : i32
    %add3A_84 = arith.addi %add3A_82, %add3A_83 : i32
    %iota3A_85 = tpu.iota {dimensions = array<i32: 0>} : vector<16xi32>
    %add3A_86 = vector.broadcast %add3A_84 : i32 to vector<16xi32>
    %add3A_87 = arith.addi %add3A_86, %iota3A_85 : vector<16xi32>
    %shift_right_logical3A_88 = arith.constant 2 : i32
    %shift_right_logical3A_89 = vector.broadcast %shift_right_logical3A_88 : i32 to vector<16xi32>
    %shift_right_logical3A_90 = arith.shrui %get3A_80, %shift_right_logical3A_89 : vector<16xi32>
    %mul3A_91 = arith.constant 8192 : i32
    %mul3A_92 = vector.broadcast %mul3A_91 : i32 to vector<16xi32>
    %mul3A_93 = arith.muli %shift_right_logical3A_90, %mul3A_92 : vector<16xi32>
    %add3A_94 = arith.addi %mul3A_93, %add3A_87 : vector<16xi32>
    %swap3A_95 = arith.constant 0 : i32
    %swap3A_96 = arith.index_cast %swap3A_95 : i32 to index
    %swap3A_97 = arith.constant 48 : index
    %swap3A_98 = tpu.vector_load %arg6[%swap3A_96, %swap3A_97] {strides = array<i32>} : memref<2x128xi32, #tpu.memory_space<vmem>>, vector<1x16xi32>,
    %swap3A_99 = vector.shape_cast %swap3A_98 : vector<1x16xi32> to vector<16xi32>
    %swap3A_100 = vector.shape_cast %add3A_94 : vector<16xi32> to vector<1x16xi32>
    tpu.vector_store %arg6[%swap3A_96, %swap3A_97], %swap3A_100 {strides = array<i32>} : memref<2x128xi32, #tpu.memory_space<vmem>>, vector<1x16xi32>,
    %get3A_101 = arith.constant 0 : i32
    %get3A_102 = arith.index_cast %get3A_101 : i32 to index
    %get3A_103 = arith.constant 64 : index
    %get3A_104 = tpu.vector_load %arg5[%get3A_102, %get3A_103] {strides = array<i32>} : memref<2x128xi32, #tpu.memory_space<vmem>>, vector<1x16xi32>,
    %get3A_105 = vector.shape_cast %get3A_104 : vector<1x16xi32> to vector<16xi32>
    %add3A_106 = arith.constant 0 : i32
    %add3A_107 = arith.addi %mul3A_2, %add3A_106 : i32
    %add3A_108 = arith.constant 64 : i32
    %add3A_109 = arith.addi %add3A_107, %add3A_108 : i32
    %iota3A_110 = tpu.iota {dimensions = array<i32: 0>} : vector<16xi32>
    %add3A_111 = vector.broadcast %add3A_109 : i32 to vector<16xi32>
    %add3A_112 = arith.addi %add3A_111, %iota3A_110 : vector<16xi32>
    %shift_right_logical3A_113 = arith.constant 2 : i32
    %shift_right_logical3A_114 = vector.broadcast %shift_right_logical3A_113 : i32 to vector<16xi32>
    %shift_right_logical3A_115 = arith.shrui %get3A_105, %shift_right_logical3A_114 : vector<16xi32>
    %mul3A_116 = arith.constant 8192 : i32
    %mul3A_117 = vector.broadcast %mul3A_116 : i32 to vector<16xi32>
    %mul3A_118 = arith.muli %shift_right_logical3A_115, %mul3A_117 : vector<16xi32>
    %add3A_119 = arith.addi %mul3A_118, %add3A_112 : vector<16xi32>
    %swap3A_120 = arith.constant 0 : i32
    %swap3A_121 = arith.index_cast %swap3A_120 : i32 to index
    %swap3A_122 = arith.constant 64 : index
    %swap3A_123 = tpu.vector_load %arg6[%swap3A_121, %swap3A_122] {strides = array<i32>} : memref<2x128xi32, #tpu.memory_space<vmem>>, vector<1x16xi32>,
    %swap3A_124 = vector.shape_cast %swap3A_123 : vector<1x16xi32> to vector<16xi32>
    %swap3A_125 = vector.shape_cast %add3A_119 : vector<16xi32> to vector<1x16xi32>
    tpu.vector_store %arg6[%swap3A_121, %swap3A_122], %swap3A_125 {strides = array<i32>} : memref<2x128xi32, #tpu.memory_space<vmem>>, vector<1x16xi32>,
    %get3A_126 = arith.constant 0 : i32
    %get3A_127 = arith.index_cast %get3A_126 : i32 to index
    %get3A_128 = arith.constant 80 : index
    %get3A_129 = tpu.vector_load %arg5[%get3A_127, %get3A_128] {strides = array<i32>} : memref<2x128xi32, #tpu.memory_space<vmem>>, vector<1x16xi32>,
    %get3A_130 = vector.shape_cast %get3A_129 : vector<1x16xi32> to vector<16xi32>
    %add3A_131 = arith.constant 0 : i32
    %add3A_132 = arith.addi %mul3A_2, %add3A_131 : i32
    %add3A_133 = arith.constant 80 : i32
    %add3A_134 = arith.addi %add3A_132, %add3A_133 : i32
    %iota3A_135 = tpu.iota {dimensions = array<i32: 0>} : vector<16xi32>
    %add3A_136 = vector.broadcast %add3A_134 : i32 to vector<16xi32>
    %add3A_137 = arith.addi %add3A_136, %iota3A_135 : vector<16xi32>
    %shift_right_logical3A_138 = arith.constant 2 : i32
    %shift_right_logical3A_139 = vector.broadcast %shift_right_logical3A_138 : i32 to vector<16xi32>
    %shift_right_logical3A_140 = arith.shrui %get3A_130, %shift_right_logical3A_139 : vector<16xi32>
    %mul3A_141 = arith.constant 8192 : i32
    %mul3A_142 = vector.broadcast %mul3A_141 : i32 to vector<16xi32>
    %mul3A_143 = arith.muli %shift_right_logical3A_140, %mul3A_142 : vector<16xi32>
    %add3A_144 = arith.addi %mul3A_143, %add3A_137 : vector<16xi32>
    %swap3A_145 = arith.constant 0 : i32
    %swap3A_146 = arith.index_cast %swap3A_145 : i32 to index
    %swap3A_147 = arith.constant 80 : index
    %swap3A_148 = tpu.vector_load %arg6[%swap3A_146, %swap3A_147] {strides = array<i32>} : memref<2x128xi32, #tpu.memory_space<vmem>>, vector<1x16xi32>,
    %swap3A_149 = vector.shape_cast %swap3A_148 : vector<1x16xi32> to vector<16xi32>
    %swap3A_150 = vector.shape_cast %add3A_144 : vector<16xi32> to vector<1x16xi32>
    tpu.vector_store %arg6[%swap3A_146, %swap3A_147], %swap3A_150 {strides = array<i32>} : memref<2x128xi32, #tpu.memory_space<vmem>>, vector<1x16xi32>,
    %get3A_151 = arith.constant 0 : i32
    %get3A_152 = arith.index_cast %get3A_151 : i32 to index
    %get3A_153 = arith.constant 96 : index
    %get3A_154 = tpu.vector_load %arg5[%get3A_152, %get3A_153] {strides = array<i32>} : memref<2x128xi32, #tpu.memory_space<vmem>>, vector<1x16xi32>,
    %get3A_155 = vector.shape_cast %get3A_154 : vector<1x16xi32> to vector<16xi32>
    %add3A_156 = arith.constant 0 : i32
    %add3A_157 = arith.addi %mul3A_2, %add3A_156 : i32
    %add3A_158 = arith.constant 96 : i32
    %add3A_159 = arith.addi %add3A_157, %add3A_158 : i32
    %iota3A_160 = tpu.iota {dimensions = array<i32: 0>} : vector<16xi32>
    %add3A_161 = vector.broadcast %add3A_159 : i32 to vector<16xi32>
    %add3A_162 = arith.addi %add3A_161, %iota3A_160 : vector<16xi32>
    %shift_right_logical3A_163 = arith.constant 2 : i32
    %shift_right_logical3A_164 = vector.broadcast %shift_right_logical3A_163 : i32 to vector<16xi32>
    %shift_right_logical3A_165 = arith.shrui %get3A_155, %shift_right_logical3A_164 : vector<16xi32>
    %mul3A_166 = arith.constant 8192 : i32
    %mul3A_167 = vector.broadcast %mul3A_166 : i32 to vector<16xi32>
    %mul3A_168 = arith.muli %shift_right_logical3A_165, %mul3A_167 : vector<16xi32>
    %add3A_169 = arith.addi %mul3A_168, %add3A_162 : vector<16xi32>
    %swap3A_170 = arith.constant 0 : i32
    %swap3A_171 = arith.index_cast %swap3A_170 : i32 to index
    %swap3A_172 = arith.constant 96 : index
    %swap3A_173 = tpu.vector_load %arg6[%swap3A_171, %swap3A_172] {strides = array<i32>} : memref<2x128xi32, #tpu.memory_space<vmem>>, vector<1x16xi32>,
    %swap3A_174 = vector.shape_cast %swap3A_173 : vector<1x16xi32> to vector<16xi32>
    %swap3A_175 = vector.shape_cast %add3A_169 : vector<16xi32> to vector<1x16xi32>
    tpu.vector_store %arg6[%swap3A_171, %swap3A_172], %swap3A_175 {strides = array<i32>} : memref<2x128xi32, #tpu.memory_space<vmem>>, vector<1x16xi32>,
    %get3A_176 = arith.constant 0 : i32
    %get3A_177 = arith.index_cast %get3A_176 : i32 to index
    %get3A_178 = arith.constant 112 : index
    %get3A_179 = tpu.vector_load %arg5[%get3A_177, %get3A_178] {strides = array<i32>} : memref<2x128xi32, #tpu.memory_space<vmem>>, vector<1x16xi32>,
    %get3A_180 = vector.shape_cast %get3A_179 : vector<1x16xi32> to vector<16xi32>
    %add3A_181 = arith.constant 0 : i32
    %add3A_182 = arith.addi %mul3A_2, %add3A_181 : i32
    %add3A_183 = arith.constant 112 : i32
    %add3A_184 = arith.addi %add3A_182, %add3A_183 : i32
    %iota3A_185 = tpu.iota {dimensions = array<i32: 0>} : vector<16xi32>
    %add3A_186 = vector.broadcast %add3A_184 : i32 to vector<16xi32>
    %add3A_187 = arith.addi %add3A_186, %iota3A_185 : vector<16xi32>
    %shift_right_logical3A_188 = arith.constant 2 : i32
    %shift_right_logical3A_189 = vector.broadcast %shift_right_logical3A_188 : i32 to vector<16xi32>
    %shift_right_logical3A_190 = arith.shrui %get3A_180, %shift_right_logical3A_189 : vector<16xi32>
    %mul3A_191 = arith.constant 8192 : i32
    %mul3A_192 = vector.broadcast %mul3A_191 : i32 to vector<16xi32>
    %mul3A_193 = arith.muli %shift_right_logical3A_190, %mul3A_192 : vector<16xi32>
    %add3A_194 = arith.addi %mul3A_193, %add3A_187 : vector<16xi32>
    %swap3A_195 = arith.constant 0 : i32
    %swap3A_196 = arith.index_cast %swap3A_195 : i32 to index
    %swap3A_197 = arith.constant 112 : index
    %swap3A_198 = tpu.vector_load %arg6[%swap3A_196, %swap3A_197] {strides = array<i32>} : memref<2x128xi32, #tpu.memory_space<vmem>>, vector<1x16xi32>,
    %swap3A_199 = vector.shape_cast %swap3A_198 : vector<1x16xi32> to vector<16xi32>
    %swap3A_200 = vector.shape_cast %add3A_194 : vector<16xi32> to vector<1x16xi32>
    tpu.vector_store %arg6[%swap3A_196, %swap3A_197], %swap3A_200 {strides = array<i32>} : memref<2x128xi32, #tpu.memory_space<vmem>>, vector<1x16xi32>,
    %get3A_201 = arith.constant 1 : i32
    %get3A_202 = arith.index_cast %get3A_201 : i32 to index
    %get3A_203 = arith.constant 0 : index
    %get3A_204 = tpu.vector_load %arg5[%get3A_202, %get3A_203] {strides = array<i32>} : memref<2x128xi32, #tpu.memory_space<vmem>>, vector<1x16xi32>,
    %get3A_205 = vector.shape_cast %get3A_204 : vector<1x16xi32> to vector<16xi32>
    %add3A_206 = arith.constant 128 : i32
    %add3A_207 = arith.addi %mul3A_2, %add3A_206 : i32
    %add3A_208 = arith.constant 0 : i32
    %add3A_209 = arith.addi %add3A_207, %add3A_208 : i32
    %iota3A_210 = tpu.iota {dimensions = array<i32: 0>} : vector<16xi32>
    %add3A_211 = vector.broadcast %add3A_209 : i32 to vector<16xi32>
    %add3A_212 = arith.addi %add3A_211, %iota3A_210 : vector<16xi32>
    %shift_right_logical3A_213 = arith.constant 2 : i32
    %shift_right_logical3A_214 = vector.broadcast %shift_right_logical3A_213 : i32 to vector<16xi32>
    %shift_right_logical3A_215 = arith.shrui %get3A_205, %shift_right_logical3A_214 : vector<16xi32>
    %mul3A_216 = arith.constant 8192 : i32
    %mul3A_217 = vector.broadcast %mul3A_216 : i32 to vector<16xi32>
    %mul3A_218 = arith.muli %shift_right_logical3A_215, %mul3A_217 : vector<16xi32>
    %add3A_219 = arith.addi %mul3A_218, %add3A_212 : vector<16xi32>
    %swap3A_220 = arith.constant 1 : i32
    %swap3A_221 = arith.index_cast %swap3A_220 : i32 to index
    %swap3A_222 = arith.constant 0 : index
    %swap3A_223 = tpu.vector_load %arg6[%swap3A_221, %swap3A_222] {strides = array<i32>} : memref<2x128xi32, #tpu.memory_space<vmem>>, vector<1x16xi32>,
    %swap3A_224 = vector.shape_cast %swap3A_223 : vector<1x16xi32> to vector<16xi32>
    %swap3A_225 = vector.shape_cast %add3A_219 : vector<16xi32> to vector<1x16xi32>
    tpu.vector_store %arg6[%swap3A_221, %swap3A_222], %swap3A_225 {strides = array<i32>} : memref<2x128xi32, #tpu.memory_space<vmem>>, vector<1x16xi32>,
    %get3A_226 = arith.constant 1 : i32
    %get3A_227 = arith.index_cast %get3A_226 : i32 to index
    %get3A_228 = arith.constant 16 : index
    %get3A_229 = tpu.vector_load %arg5[%get3A_227, %get3A_228] {strides = array<i32>} : memref<2x128xi32, #tpu.memory_space<vmem>>, vector<1x16xi32>,
    %get3A_230 = vector.shape_cast %get3A_229 : vector<1x16xi32> to vector<16xi32>
    %add3A_231 = arith.constant 128 : i32
    %add3A_232 = arith.addi %mul3A_2, %add3A_231 : i32
    %add3A_233 = arith.constant 16 : i32
    %add3A_234 = arith.addi %add3A_232, %add3A_233 : i32
    %iota3A_235 = tpu.iota {dimensions = array<i32: 0>} : vector<16xi32>
    %add3A_236 = vector.broadcast %add3A_234 : i32 to vector<16xi32>
    %add3A_237 = arith.addi %add3A_236, %iota3A_235 : vector<16xi32>
    %shift_right_logical3A_238 = arith.constant 2 : i32
    %shift_right_logical3A_239 = vector.broadcast %shift_right_logical3A_238 : i32 to vector<16xi32>
    %shift_right_logical3A_240 = arith.shrui %get3A_230, %shift_right_logical3A_239 : vector<16xi32>
    %mul3A_241 = arith.constant 8192 : i32
    %mul3A_242 = vector.broadcast %mul3A_241 : i32 to vector<16xi32>
    %mul3A_243 = arith.muli %shift_right_logical3A_240, %mul3A_242 : vector<16xi32>
    %add3A_244 = arith.addi %mul3A_243, %add3A_237 : vector<16xi32>
    %swap3A_245 = arith.constant 1 : i32
    %swap3A_246 = arith.index_cast %swap3A_245 : i32 to index
    %swap3A_247 = arith.constant 16 : index
    %swap3A_248 = tpu.vector_load %arg6[%swap3A_246, %swap3A_247] {strides = array<i32>} : memref<2x128xi32, #tpu.memory_space<vmem>>, vector<1x16xi32>,
    %swap3A_249 = vector.shape_cast %swap3A_248 : vector<1x16xi32> to vector<16xi32>
    %swap3A_250 = vector.shape_cast %add3A_244 : vector<16xi32> to vector<1x16xi32>
    tpu.vector_store %arg6[%swap3A_246, %swap3A_247], %swap3A_250 {strides = array<i32>} : memref<2x128xi32, #tpu.memory_space<vmem>>, vector<1x16xi32>,
    %get3A_251 = arith.constant 1 : i32
    %get3A_252 = arith.index_cast %get3A_251 : i32 to index
    %get3A_253 = arith.constant 32 : index
    %get3A_254 = tpu.vector_load %arg5[%get3A_252, %get3A_253] {strides = array<i32>} : memref<2x128xi32, #tpu.memory_space<vmem>>, vector<1x16xi32>,
    %get3A_255 = vector.shape_cast %get3A_254 : vector<1x16xi32> to vector<16xi32>
    %add3A_256 = arith.constant 128 : i32
    %add3A_257 = arith.addi %mul3A_2, %add3A_256 : i32
    %add3A_258 = arith.constant 32 : i32
    %add3A_259 = arith.addi %add3A_257, %add3A_258 : i32
    %iota3A_260 = tpu.iota {dimensions = array<i32: 0>} : vector<16xi32>
    %add3A_261 = vector.broadcast %add3A_259 : i32 to vector<16xi32>
    %add3A_262 = arith.addi %add3A_261, %iota3A_260 : vector<16xi32>
    %shift_right_logical3A_263 = arith.constant 2 : i32
    %shift_right_logical3A_264 = vector.broadcast %shift_right_logical3A_263 : i32 to vector<16xi32>
    %shift_right_logical3A_265 = arith.shrui %get3A_255, %shift_right_logical3A_264 : vector<16xi32>
    %mul3A_266 = arith.constant 8192 : i32
    %mul3A_267 = vector.broadcast %mul3A_266 : i32 to vector<16xi32>
    %mul3A_268 = arith.muli %shift_right_logical3A_265, %mul3A_267 : vector<16xi32>
    %add3A_269 = arith.addi %mul3A_268, %add3A_262 : vector<16xi32>
    %swap3A_270 = arith.constant 1 : i32
    %swap3A_271 = arith.index_cast %swap3A_270 : i32 to index
    %swap3A_272 = arith.constant 32 : index
    %swap3A_273 = tpu.vector_load %arg6[%swap3A_271, %swap3A_272] {strides = array<i32>} : memref<2x128xi32, #tpu.memory_space<vmem>>, vector<1x16xi32>,
    %swap3A_274 = vector.shape_cast %swap3A_273 : vector<1x16xi32> to vector<16xi32>
    %swap3A_275 = vector.shape_cast %add3A_269 : vector<16xi32> to vector<1x16xi32>
    tpu.vector_store %arg6[%swap3A_271, %swap3A_272], %swap3A_275 {strides = array<i32>} : memref<2x128xi32, #tpu.memory_space<vmem>>, vector<1x16xi32>,
    %get3A_276 = arith.constant 1 : i32
    %get3A_277 = arith.index_cast %get3A_276 : i32 to index
    %get3A_278 = arith.constant 48 : index
    %get3A_279 = tpu.vector_load %arg5[%get3A_277, %get3A_278] {strides = array<i32>} : memref<2x128xi32, #tpu.memory_space<vmem>>, vector<1x16xi32>,
    %get3A_280 = vector.shape_cast %get3A_279 : vector<1x16xi32> to vector<16xi32>
    %add3A_281 = arith.constant 128 : i32
    %add3A_282 = arith.addi %mul3A_2, %add3A_281 : i32
    %add3A_283 = arith.constant 48 : i32
    %add3A_284 = arith.addi %add3A_282, %add3A_283 : i32
    %iota3A_285 = tpu.iota {dimensions = array<i32: 0>} : vector<16xi32>
    %add3A_286 = vector.broadcast %add3A_284 : i32 to vector<16xi32>
    %add3A_287 = arith.addi %add3A_286, %iota3A_285 : vector<16xi32>
    %shift_right_logical3A_288 = arith.constant 2 : i32
    %shift_right_logical3A_289 = vector.broadcast %shift_right_logical3A_288 : i32 to vector<16xi32>
    %shift_right_logical3A_290 = arith.shrui %get3A_280, %shift_right_logical3A_289 : vector<16xi32>
    %mul3A_291 = arith.constant 8192 : i32
    %mul3A_292 = vector.broadcast %mul3A_291 : i32 to vector<16xi32>
    %mul3A_293 = arith.muli %shift_right_logical3A_290, %mul3A_292 : vector<16xi32>
    %add3A_294 = arith.addi %mul3A_293, %add3A_287 : vector<16xi32>
    %swap3A_295 = arith.constant 1 : i32
    %swap3A_296 = arith.index_cast %swap3A_295 : i32 to index
    %swap3A_297 = arith.constant 48 : index
    %swap3A_298 = tpu.vector_load %arg6[%swap3A_296, %swap3A_297] {strides = array<i32>} : memref<2x128xi32, #tpu.memory_space<vmem>>, vector<1x16xi32>,
    %swap3A_299 = vector.shape_cast %swap3A_298 : vector<1x16xi32> to vector<16xi32>
    %swap3A_300 = vector.shape_cast %add3A_294 : vector<16xi32> to vector<1x16xi32>
    tpu.vector_store %arg6[%swap3A_296, %swap3A_297], %swap3A_300 {strides = array<i32>} : memref<2x128xi32, #tpu.memory_space<vmem>>, vector<1x16xi32>,
    %get3A_301 = arith.constant 1 : i32
    %get3A_302 = arith.index_cast %get3A_301 : i32 to index
    %get3A_303 = arith.constant 64 : index
    %get3A_304 = tpu.vector_load %arg5[%get3A_302, %get3A_303] {strides = array<i32>} : memref<2x128xi32, #tpu.memory_space<vmem>>, vector<1x16xi32>,
    %get3A_305 = vector.shape_cast %get3A_304 : vector<1x16xi32> to vector<16xi32>
    %add3A_306 = arith.constant 128 : i32
    %add3A_307 = arith.addi %mul3A_2, %add3A_306 : i32
    %add3A_308 = arith.constant 64 : i32
    %add3A_309 = arith.addi %add3A_307, %add3A_308 : i32
    %iota3A_310 = tpu.iota {dimensions = array<i32: 0>} : vector<16xi32>
    %add3A_311 = vector.broadcast %add3A_309 : i32 to vector<16xi32>
    %add3A_312 = arith.addi %add3A_311, %iota3A_310 : vector<16xi32>
    %shift_right_logical3A_313 = arith.constant 2 : i32
    %shift_right_logical3A_314 = vector.broadcast %shift_right_logical3A_313 : i32 to vector<16xi32>
    %shift_right_logical3A_315 = arith.shrui %get3A_305, %shift_right_logical3A_314 : vector<16xi32>
    %mul3A_316 = arith.constant 8192 : i32
    %mul3A_317 = vector.broadcast %mul3A_316 : i32 to vector<16xi32>
    %mul3A_318 = arith.muli %shift_right_logical3A_315, %mul3A_317 : vector<16xi32>
    %add3A_319 = arith.addi %mul3A_318, %add3A_312 : vector<16xi32>
    %swap3A_320 = arith.constant 1 : i32
    %swap3A_321 = arith.index_cast %swap3A_320 : i32 to index
    %swap3A_322 = arith.constant 64 : index
    %swap3A_323 = tpu.vector_load %arg6[%swap3A_321, %swap3A_322] {strides = array<i32>} : memref<2x128xi32, #tpu.memory_space<vmem>>, vector<1x16xi32>,
    %swap3A_324 = vector.shape_cast %swap3A_323 : vector<1x16xi32> to vector<16xi32>
    %swap3A_325 = vector.shape_cast %add3A_319 : vector<16xi32> to vector<1x16xi32>
    tpu.vector_store %arg6[%swap3A_321, %swap3A_322], %swap3A_325 {strides = array<i32>} : memref<2x128xi32, #tpu.memory_space<vmem>>, vector<1x16xi32>,
    %get3A_326 = arith.constant 1 : i32
    %get3A_327 = arith.index_cast %get3A_326 : i32 to index
    %get3A_328 = arith.constant 80 : index
    %get3A_329 = tpu.vector_load %arg5[%get3A_327, %get3A_328] {strides = array<i32>} : memref<2x128xi32, #tpu.memory_space<vmem>>, vector<1x16xi32>,
    %get3A_330 = vector.shape_cast %get3A_329 : vector<1x16xi32> to vector<16xi32>
    %add3A_331 = arith.constant 128 : i32
    %add3A_332 = arith.addi %mul3A_2, %add3A_331 : i32
    %add3A_333 = arith.constant 80 : i32
    %add3A_334 = arith.addi %add3A_332, %add3A_333 : i32
    %iota3A_335 = tpu.iota {dimensions = array<i32: 0>} : vector<16xi32>
    %add3A_336 = vector.broadcast %add3A_334 : i32 to vector<16xi32>
    %add3A_337 = arith.addi %add3A_336, %iota3A_335 : vector<16xi32>
    %shift_right_logical3A_338 = arith.constant 2 : i32
    %shift_right_logical3A_339 = vector.broadcast %shift_right_logical3A_338 : i32 to vector<16xi32>
    %shift_right_logical3A_340 = arith.shrui %get3A_330, %shift_right_logical3A_339 : vector<16xi32>
    %mul3A_341 = arith.constant 8192 : i32
    %mul3A_342 = vector.broadcast %mul3A_341 : i32 to vector<16xi32>
    %mul3A_343 = arith.muli %shift_right_logical3A_340, %mul3A_342 : vector<16xi32>
    %add3A_344 = arith.addi %mul3A_343, %add3A_337 : vector<16xi32>
    %swap3A_345 = arith.constant 1 : i32
    %swap3A_346 = arith.index_cast %swap3A_345 : i32 to index
    %swap3A_347 = arith.constant 80 : index
    %swap3A_348 = tpu.vector_load %arg6[%swap3A_346, %swap3A_347] {strides = array<i32>} : memref<2x128xi32, #tpu.memory_space<vmem>>, vector<1x16xi32>,
    %swap3A_349 = vector.shape_cast %swap3A_348 : vector<1x16xi32> to vector<16xi32>
    %swap3A_350 = vector.shape_cast %add3A_344 : vector<16xi32> to vector<1x16xi32>
    tpu.vector_store %arg6[%swap3A_346, %swap3A_347], %swap3A_350 {strides = array<i32>} : memref<2x128xi32, #tpu.memory_space<vmem>>, vector<1x16xi32>,
    %get3A_351 = arith.constant 1 : i32
    %get3A_352 = arith.index_cast %get3A_351 : i32 to index
    %get3A_353 = arith.constant 96 : index
    %get3A_354 = tpu.vector_load %arg5[%get3A_352, %get3A_353] {strides = array<i32>} : memref<2x128xi32, #tpu.memory_space<vmem>>, vector<1x16xi32>,
    %get3A_355 = vector.shape_cast %get3A_354 : vector<1x16xi32> to vector<16xi32>
    %add3A_356 = arith.constant 128 : i32
    %add3A_357 = arith.addi %mul3A_2, %add3A_356 : i32
    %add3A_358 = arith.constant 96 : i32
    %add3A_359 = arith.addi %add3A_357, %add3A_358 : i32
    %iota3A_360 = tpu.iota {dimensions = array<i32: 0>} : vector<16xi32>
    %add3A_361 = vector.broadcast %add3A_359 : i32 to vector<16xi32>
    %add3A_362 = arith.addi %add3A_361, %iota3A_360 : vector<16xi32>
    %shift_right_logical3A_363 = arith.constant 2 : i32
    %shift_right_logical3A_364 = vector.broadcast %shift_right_logical3A_363 : i32 to vector<16xi32>
    %shift_right_logical3A_365 = arith.shrui %get3A_355, %shift_right_logical3A_364 : vector<16xi32>
    %mul3A_366 = arith.constant 8192 : i32
    %mul3A_367 = vector.broadcast %mul3A_366 : i32 to vector<16xi32>
    %mul3A_368 = arith.muli %shift_right_logical3A_365, %mul3A_367 : vector<16xi32>
    %add3A_369 = arith.addi %mul3A_368, %add3A_362 : vector<16xi32>
    %swap3A_370 = arith.constant 1 : i32
    %swap3A_371 = arith.index_cast %swap3A_370 : i32 to index
    %swap3A_372 = arith.constant 96 : index
    %swap3A_373 = tpu.vector_load %arg6[%swap3A_371, %swap3A_372] {strides = array<i32>} : memref<2x128xi32, #tpu.memory_space<vmem>>, vector<1x16xi32>,
    %swap3A_374 = vector.shape_cast %swap3A_373 : vector<1x16xi32> to vector<16xi32>
    %swap3A_375 = vector.shape_cast %add3A_369 : vector<16xi32> to vector<1x16xi32>
    tpu.vector_store %arg6[%swap3A_371, %swap3A_372], %swap3A_375 {strides = array<i32>} : memref<2x128xi32, #tpu.memory_space<vmem>>, vector<1x16xi32>,
    %get3A_376 = arith.constant 1 : i32
    %get3A_377 = arith.index_cast %get3A_376 : i32 to index
    %get3A_378 = arith.constant 112 : index
    %get3A_379 = tpu.vector_load %arg5[%get3A_377, %get3A_378] {strides = array<i32>} : memref<2x128xi32, #tpu.memory_space<vmem>>, vector<1x16xi32>,
    %get3A_380 = vector.shape_cast %get3A_379 : vector<1x16xi32> to vector<16xi32>
    %add3A_381 = arith.constant 128 : i32
    %add3A_382 = arith.addi %mul3A_2, %add3A_381 : i32
    %add3A_383 = arith.constant 112 : i32
    %add3A_384 = arith.addi %add3A_382, %add3A_383 : i32
    %iota3A_385 = tpu.iota {dimensions = array<i32: 0>} : vector<16xi32>
    %add3A_386 = vector.broadcast %add3A_384 : i32 to vector<16xi32>
    %add3A_387 = arith.addi %add3A_386, %iota3A_385 : vector<16xi32>
    %shift_right_logical3A_388 = arith.constant 2 : i32
    %shift_right_logical3A_389 = vector.broadcast %shift_right_logical3A_388 : i32 to vector<16xi32>
    %shift_right_logical3A_390 = arith.shrui %get3A_380, %shift_right_logical3A_389 : vector<16xi32>
    %mul3A_391 = arith.constant 8192 : i32
    %mul3A_392 = vector.broadcast %mul3A_391 : i32 to vector<16xi32>
    %mul3A_393 = arith.muli %shift_right_logical3A_390, %mul3A_392 : vector<16xi32>
    %add3A_394 = arith.addi %mul3A_393, %add3A_387 : vector<16xi32>
    %swap3A_395 = arith.constant 1 : i32
    %swap3A_396 = arith.index_cast %swap3A_395 : i32 to index
    %swap3A_397 = arith.constant 112 : index
    %swap3A_398 = tpu.vector_load %arg6[%swap3A_396, %swap3A_397] {strides = array<i32>} : memref<2x128xi32, #tpu.memory_space<vmem>>, vector<1x16xi32>,
    %swap3A_399 = vector.shape_cast %swap3A_398 : vector<1x16xi32> to vector<16xi32>
    %swap3A_400 = vector.shape_cast %add3A_394 : vector<16xi32> to vector<1x16xi32>
    tpu.vector_store %arg6[%swap3A_396, %swap3A_397], %swap3A_400 {strides = array<i32>} : memref<2x128xi32, #tpu.memory_space<vmem>>, vector<1x16xi32>,
    %dma_start3A = arith.constant 0 : i32
    %dma_start3A_401 = arith.constant 0 : i32
    %dma_start3A_402 = arith.constant 0 : i32
    %dma_start3A_403 = arith.constant 0 : i32
    %dma_start3A_404 = tpu.memref_slice %arg7[%dma_start3A_401, %dma_start3A_402, %dma_start3A_403] : memref<2x128x128xf32, #tpu.memory_space<vmem>> -> memref<1x128x128xf32, #tpu.memory_space<vmem>>
    %dma_start3A_405 = tpu.memref_squeeze %dma_start3A_404 : memref<1x128x128xf32, #tpu.memory_space<vmem>> -> memref<128x128xf32, #tpu.memory_space<vmem>>
    %dma_start3A_406 = arith.constant 0 : i32
    %dma_start3A_407 = tpu.memref_slice %arg6[%dma_start3A, %dma_start3A_406] : memref<2x128xi32, #tpu.memory_space<vmem>> -> memref<1x128xi32, #tpu.memory_space<vmem>>
    %dma_start3A_408 = tpu.memref_squeeze %dma_start3A_407 : memref<1x128xi32, #tpu.memory_space<vmem>> -> memref<128xi32, #tpu.memory_space<vmem>>
    %dma_start3A_409 = arith.constant 0 : i32
    %dma_start3A_410 = arith.constant 0 : i32
    %dma_start3A_411 = tpu.memref_slice %arg3[%dma_start3A_409, %dma_start3A_410] : memref<16384x128xf32, #tpu.memory_space<hbm>> -> memref<16384x128xf32, #tpu.memory_space<hbm>>
    tpu.enqueue_indirect_dma source(%dma_start3A_411 : memref<16384x128xf32, #tpu.memory_space<hbm>>) target(%dma_start3A_405 : memref<128x128xf32, #tpu.memory_space<vmem>>) offsets(%dma_start3A_408 : memref<128xi32, #tpu.memory_space<vmem>>) semaphore(%arg8 : memref<!tpu.dma_semaphore, #tpu.memory_space<semaphore_mem>>)
    %dma_start3A_412 = arith.constant 1 : i32
    %dma_start3A_413 = arith.constant 1 : i32
    %dma_start3A_414 = arith.constant 0 : i32
    %dma_start3A_415 = arith.constant 0 : i32
    %dma_start3A_416 = tpu.memref_slice %arg7[%dma_start3A_413, %dma_start3A_414, %dma_start3A_415] : memref<2x128x128xf32, #tpu.memory_space<vmem>> -> memref<1x128x128xf32, #tpu.memory_space<vmem>>
    %dma_start3A_417 = tpu.memref_squeeze %dma_start3A_416 : memref<1x128x128xf32, #tpu.memory_space<vmem>> -> memref<128x128xf32, #tpu.memory_space<vmem>>
    %dma_start3A_418 = arith.constant 0 : i32
    %dma_start3A_419 = tpu.memref_slice %arg6[%dma_start3A_412, %dma_start3A_418] : memref<2x128xi32, #tpu.memory_space<vmem>> -> memref<1x128xi32, #tpu.memory_space<vmem>>
    %dma_start3A_420 = tpu.memref_squeeze %dma_start3A_419 : memref<1x128xi32, #tpu.memory_space<vmem>> -> memref<128xi32, #tpu.memory_space<vmem>>
    %dma_start3A_421 = arith.constant 0 : i32
    %dma_start3A_422 = arith.constant 0 : i32
    %dma_start3A_423 = tpu.memref_slice %arg3[%dma_start3A_421, %dma_start3A_422] : memref<16384x128xf32, #tpu.memory_space<hbm>> -> memref<16384x128xf32, #tpu.memory_space<hbm>>
    tpu.enqueue_indirect_dma source(%dma_start3A_423 : memref<16384x128xf32, #tpu.memory_space<hbm>>) target(%dma_start3A_417 : memref<128x128xf32, #tpu.memory_space<vmem>>) offsets(%dma_start3A_420 : memref<128xi32, #tpu.memory_space<vmem>>) semaphore(%arg8 : memref<!tpu.dma_semaphore, #tpu.memory_space<semaphore_mem>>)
    %dma_wait3A = arith.constant 0 : i32
    %dma_wait3A_424 = arith.constant 0 : i32
    %dma_wait3A_425 = arith.constant 0 : i32
    %dma_wait3A_426 = arith.constant 0 : i32
    %dma_wait3A_427 = tpu.memref_slice %arg7[%dma_wait3A_424, %dma_wait3A_425, %dma_wait3A_426] : memref<2x128x128xf32, #tpu.memory_space<vmem>> -> memref<1x128x128xf32, #tpu.memory_space<vmem>>
    %dma_wait3A_428 = tpu.memref_squeeze %dma_wait3A_427 : memref<1x128x128xf32, #tpu.memory_space<vmem>> -> memref<128x128xf32, #tpu.memory_space<vmem>>
    %dma_wait3A_429 = arith.constant 0 : i32
    %dma_wait3A_430 = tpu.memref_slice %arg6[%dma_wait3A, %dma_wait3A_429] : memref<2x128xi32, #tpu.memory_space<vmem>> -> memref<1x128xi32, #tpu.memory_space<vmem>>
    %dma_wait3A_431 = tpu.memref_squeeze %dma_wait3A_430 : memref<1x128xi32, #tpu.memory_space<vmem>> -> memref<128xi32, #tpu.memory_space<vmem>>
    %dma_wait3A_432 = arith.constant 0 : i32
    %dma_wait3A_433 = arith.constant 0 : i32
    %dma_wait3A_434 = tpu.memref_slice %arg3[%dma_wait3A_432, %dma_wait3A_433] : memref<16384x128xf32, #tpu.memory_space<hbm>> -> memref<16384x128xf32, #tpu.memory_space<hbm>>
    tpu.wait_indirect_dma semaphore(%arg8 : memref<!tpu.dma_semaphore, #tpu.memory_space<semaphore_mem>>) src(%dma_wait3A_434 : memref<16384x128xf32, #tpu.memory_space<hbm>>) dst(%dma_wait3A_428 : memref<128x128xf32, #tpu.memory_space<vmem>>)
    %run_scoped3A = arith.constant 0 : i32
    "tpu.region"() ({
      %run_scoped3A_450 = tpu.sem_alloc : memref<!tpu.dma_semaphore, #tpu.memory_space<semaphore_mem>>
      %dma_start3A_451 = arith.constant 0 : i32
      %dma_start3A_452 = arith.constant 0 : i32
      %dma_start3A_453 = tpu.memref_slice %arg7[%run_scoped3A, %dma_start3A_451, %dma_start3A_452] : memref<2x128x128xf32, #tpu.memory_space<vmem>> -> memref<1x128x128xf32, #tpu.memory_space<vmem>>
      %dma_start3A_454 = tpu.memref_squeeze %dma_start3A_453 : memref<1x128x128xf32, #tpu.memory_space<vmem>> -> memref<128x128xf32, #tpu.memory_space<vmem>>
      %dma_start3A_455 = arith.constant 0 : i32
      %dma_start3A_456 = tpu.memref_slice %arg4[%mul3A_2, %dma_start3A_455] : memref<8192x128xf32, #tpu.memory_space<hbm>> -> memref<128x128xf32, #tpu.memory_space<hbm>>
      %dma_start3A_457 = arith.constant 0 : i32
      %dma_start3A_458 = tpu.memref_slice %arg4[%mul3A_2, %dma_start3A_457] : memref<8192x128xf32, #tpu.memory_space<hbm>> -> memref<128x128xf32, #tpu.memory_space<hbm>>
      %dma_start3A_459 = arith.constant 0 : i32
      %dma_start3A_460 = arith.constant 0 : i32
      %dma_start3A_461 = tpu.memref_slice %arg7[%run_scoped3A, %dma_start3A_459, %dma_start3A_460] : memref<2x128x128xf32, #tpu.memory_space<vmem>> -> memref<1x128x128xf32, #tpu.memory_space<vmem>>
      %dma_start3A_462 = tpu.memref_squeeze %dma_start3A_461 : memref<1x128x128xf32, #tpu.memory_space<vmem>> -> memref<128x128xf32, #tpu.memory_space<vmem>>
      tpu.enqueue_dma source(%dma_start3A_462 : memref<128x128xf32, #tpu.memory_space<vmem>>) target(%dma_start3A_458 : memref<128x128xf32, #tpu.memory_space<hbm>>) target_semaphore(%run_scoped3A_450 : memref<!tpu.dma_semaphore, #tpu.memory_space<semaphore_mem>>)
      %dma_wait3A_463 = arith.constant 0 : i32
      %dma_wait3A_464 = arith.constant 0 : i32
      %dma_wait3A_465 = tpu.memref_slice %arg7[%run_scoped3A, %dma_wait3A_463, %dma_wait3A_464] : memref<2x128x128xf32, #tpu.memory_space<vmem>> -> memref<1x128x128xf32, #tpu.memory_space<vmem>>
      %dma_wait3A_466 = tpu.memref_squeeze %dma_wait3A_465 : memref<1x128x128xf32, #tpu.memory_space<vmem>> -> memref<128x128xf32, #tpu.memory_space<vmem>>
      %dma_wait3A_467 = arith.constant 0 : i32
      %dma_wait3A_468 = tpu.memref_slice %arg4[%mul3A_2, %dma_wait3A_467] : memref<8192x128xf32, #tpu.memory_space<hbm>> -> memref<128x128xf32, #tpu.memory_space<hbm>>
      %dma_wait3A_469 = arith.constant 0 : i32
      %dma_wait3A_470 = tpu.memref_slice %arg4[%mul3A_2, %dma_wait3A_469] : memref<8192x128xf32, #tpu.memory_space<hbm>> -> memref<128x128xf32, #tpu.memory_space<hbm>>
      %dma_wait3A_471 = arith.constant 0 : i32
      %dma_wait3A_472 = arith.constant 0 : i32
      %dma_wait3A_473 = tpu.memref_slice %arg7[%run_scoped3A, %dma_wait3A_471, %dma_wait3A_472] : memref<2x128x128xf32, #tpu.memory_space<vmem>> -> memref<1x128x128xf32, #tpu.memory_space<vmem>>
      %dma_wait3A_474 = tpu.memref_squeeze %dma_wait3A_473 : memref<1x128x128xf32, #tpu.memory_space<vmem>> -> memref<128x128xf32, #tpu.memory_space<vmem>>
      tpu.wait_dma2 semaphore(%run_scoped3A_450 : memref<!tpu.dma_semaphore, #tpu.memory_space<semaphore_mem>>) src(%dma_wait3A_474 : memref<128x128xf32, #tpu.memory_space<vmem>>) dst(%dma_wait3A_470 : memref<128x128xf32, #tpu.memory_space<hbm>>)
      tpu.yield
    }) : () -> ()
    %dma_wait3A_435 = arith.constant 1 : i32
    %dma_wait3A_436 = arith.constant 1 : i32
    %dma_wait3A_437 = arith.constant 0 : i32
    %dma_wait3A_438 = arith.constant 0 : i32
    %dma_wait3A_439 = tpu.memref_slice %arg7[%dma_wait3A_436, %dma_wait3A_437, %dma_wait3A_438] : memref<2x128x128xf32, #tpu.memory_space<vmem>> -> memref<1x128x128xf32, #tpu.memory_space<vmem>>
    %dma_wait3A_440 = tpu.memref_squeeze %dma_wait3A_439 : memref<1x128x128xf32, #tpu.memory_space<vmem>> -> memref<128x128xf32, #tpu.memory_space<vmem>>
    %dma_wait3A_441 = arith.constant 0 : i32
    %dma_wait3A_442 = tpu.memref_slice %arg6[%dma_wait3A_435, %dma_wait3A_441] : memref<2x128xi32, #tpu.memory_space<vmem>> -> memref<1x128xi32, #tpu.memory_space<vmem>>
    %dma_wait3A_443 = tpu.memref_squeeze %dma_wait3A_442 : memref<1x128xi32, #tpu.memory_space<vmem>> -> memref<128xi32, #tpu.memory_space<vmem>>
    %dma_wait3A_444 = arith.constant 0 : i32
    %dma_wait3A_445 = arith.constant 0 : i32
    %dma_wait3A_446 = tpu.memref_slice %arg3[%dma_wait3A_444, %dma_wait3A_445] : memref<16384x128xf32, #tpu.memory_space<hbm>> -> memref<16384x128xf32, #tpu.memory_space<hbm>>
    tpu.wait_indirect_dma semaphore(%arg8 : memref<!tpu.dma_semaphore, #tpu.memory_space<semaphore_mem>>) src(%dma_wait3A_446 : memref<16384x128xf32, #tpu.memory_space<hbm>>) dst(%dma_wait3A_440 : memref<128x128xf32, #tpu.memory_space<vmem>>)
    %add3A_447 = arith.constant 128 : i32
    %add3A_448 = arith.addi %mul3A_2, %add3A_447 : i32
    %run_scoped3A_449 = arith.constant 1 : i32
    "tpu.region"() ({
      %run_scoped3A_450 = tpu.sem_alloc : memref<!tpu.dma_semaphore, #tpu.memory_space<semaphore_mem>>
      %dma_start3A_451 = arith.constant 0 : i32
      %dma_start3A_452 = arith.constant 0 : i32
      %dma_start3A_453 = tpu.memref_slice %arg7[%run_scoped3A_449, %dma_start3A_451, %dma_start3A_452] : memref<2x128x128xf32, #tpu.memory_space<vmem>> -> memref<1x128x128xf32, #tpu.memory_space<vmem>>
      %dma_start3A_454 = tpu.memref_squeeze %dma_start3A_453 : memref<1x128x128xf32, #tpu.memory_space<vmem>> -> memref<128x128xf32, #tpu.memory_space<vmem>>
      %dma_start3A_455 = arith.constant 0 : i32
      %dma_start3A_456 = tpu.memref_slice %arg4[%add3A_448, %dma_start3A_455] : memref<8192x128xf32, #tpu.memory_space<hbm>> -> memref<128x128xf32, #tpu.memory_space<hbm>>
      %dma_start3A_457 = arith.constant 0 : i32
      %dma_start3A_458 = tpu.memref_slice %arg4[%add3A_448, %dma_start3A_457] : memref<8192x128xf32, #tpu.memory_space<hbm>> -> memref<128x128xf32, #tpu.memory_space<hbm>>
      %dma_start3A_459 = arith.constant 0 : i32
      %dma_start3A_460 = arith.constant 0 : i32
      %dma_start3A_461 = tpu.memref_slice %arg7[%run_scoped3A_449, %dma_start3A_459, %dma_start3A_460] : memref<2x128x128xf32, #tpu.memory_space<vmem>> -> memref<1x128x128xf32, #tpu.memory_space<vmem>>
      %dma_start3A_462 = tpu.memref_squeeze %dma_start3A_461 : memref<1x128x128xf32, #tpu.memory_space<vmem>> -> memref<128x128xf32, #tpu.memory_space<vmem>>
      tpu.enqueue_dma source(%dma_start3A_462 : memref<128x128xf32, #tpu.memory_space<vmem>>) target(%dma_start3A_458 : memref<128x128xf32, #tpu.memory_space<hbm>>) target_semaphore(%run_scoped3A_450 : memref<!tpu.dma_semaphore, #tpu.memory_space<semaphore_mem>>)
      %dma_wait3A_463 = arith.constant 0 : i32
      %dma_wait3A_464 = arith.constant 0 : i32
      %dma_wait3A_465 = tpu.memref_slice %arg7[%run_scoped3A_449, %dma_wait3A_463, %dma_wait3A_464] : memref<2x128x128xf32, #tpu.memory_space<vmem>> -> memref<1x128x128xf32, #tpu.memory_space<vmem>>
      %dma_wait3A_466 = tpu.memref_squeeze %dma_wait3A_465 : memref<1x128x128xf32, #tpu.memory_space<vmem>> -> memref<128x128xf32, #tpu.memory_space<vmem>>
      %dma_wait3A_467 = arith.constant 0 : i32
      %dma_wait3A_468 = tpu.memref_slice %arg4[%add3A_448, %dma_wait3A_467] : memref<8192x128xf32, #tpu.memory_space<hbm>> -> memref<128x128xf32, #tpu.memory_space<hbm>>
      %dma_wait3A_469 = arith.constant 0 : i32
      %dma_wait3A_470 = tpu.memref_slice %arg4[%add3A_448, %dma_wait3A_469] : memref<8192x128xf32, #tpu.memory_space<hbm>> -> memref<128x128xf32, #tpu.memory_space<hbm>>
      %dma_wait3A_471 = arith.constant 0 : i32
      %dma_wait3A_472 = arith.constant 0 : i32
      %dma_wait3A_473 = tpu.memref_slice %arg7[%run_scoped3A_449, %dma_wait3A_471, %dma_wait3A_472] : memref<2x128x128xf32, #tpu.memory_space<vmem>> -> memref<1x128x128xf32, #tpu.memory_space<vmem>>
      %dma_wait3A_474 = tpu.memref_squeeze %dma_wait3A_473 : memref<1x128x128xf32, #tpu.memory_space<vmem>> -> memref<128x128xf32, #tpu.memory_space<vmem>>
      tpu.wait_dma2 semaphore(%run_scoped3A_450 : memref<!tpu.dma_semaphore, #tpu.memory_space<semaphore_mem>>) src(%dma_wait3A_474 : memref<128x128xf32, #tpu.memory_space<vmem>>) dst(%dma_wait3A_470 : memref<128x128xf32, #tpu.memory_space<hbm>>)
      tpu.yield
    }) : () -> ()
    return
  }
}

module attributes {stable_mosaic.version = 14 : i64} {
  func.func @_k1_body(%arg0: i32, %arg1: memref<2048x1024xf32, #tpu.memory_space<vmem>>, %arg2: memref<1024x128xf32, #tpu.memory_space<vmem>>, %arg3: memref<1x128xf32, #tpu.memory_space<vmem>>, %arg4: memref<8x1024x64xf32, #tpu.memory_space<vmem>>, %arg5: memref<8x64xf32, #tpu.memory_space<vmem>>, %arg6: memref<128x64xf32, #tpu.memory_space<vmem>>, %arg7: memref<1x64xf32, #tpu.memory_space<vmem>>, %arg8: memref<64x1xf32, #tpu.memory_space<vmem>>, %arg9: memref<1x1xf32, #tpu.memory_space<vmem>>, %arg10: memref<64x64xf32, #tpu.memory_space<vmem>>, %arg11: memref<1x64xf32, #tpu.memory_space<vmem>>, %arg12: memref<64x8xf32, #tpu.memory_space<vmem>>, %arg13: memref<1x8xf32, #tpu.memory_space<vmem>>, %arg14: memref<8x64x32xf32, #tpu.memory_space<vmem>>, %arg15: memref<8x32xf32, #tpu.memory_space<vmem>>, %arg16: memref<2048x1xf32, #tpu.memory_space<vmem>>, %arg17: memref<2048x64xf32, #tpu.memory_space<vmem>>, %arg18: memref<2048x8xf32, #tpu.memory_space<vmem>>, %arg19: memref<2x2048x128xf32, #tpu.memory_space<vmem>>) attributes {dimension_semantics = [#tpu.dimension_semantics<arbitrary>], iteration_bounds = array<i64: 4>, scalar_prefetch = 0 : i64, scratch_operands = 0 : i64, tpu.core_type = #tpu.core_type<tc>, window_params = [{transform_indices = @transform_0, window_bounds = array<i64: 2048, 1024>}, {pipeline_mode = #tpu.pipeline_mode<synchronous>, transform_indices = @transform_1, window_bounds = array<i64: 1024, 128>}, {pipeline_mode = #tpu.pipeline_mode<synchronous>, transform_indices = @transform_2, window_bounds = array<i64: 1, 128>}, {pipeline_mode = #tpu.pipeline_mode<synchronous>, transform_indices = @transform_3, window_bounds = array<i64: 8, 1024, 64>}, {pipeline_mode = #tpu.pipeline_mode<synchronous>, transform_indices = @transform_4, window_bounds = array<i64: 8, 64>}, {pipeline_mode = #tpu.pipeline_mode<synchronous>, transform_indices = @transform_5, window_bounds = array<i64: 128, 64>}, {pipeline_mode = #tpu.pipeline_mode<synchronous>, transform_indices = @transform_6, window_bounds = array<i64: 1, 64>}, {pipeline_mode = #tpu.pipeline_mode<synchronous>, transform_indices = @transform_7, window_bounds = array<i64: 64, 1>}, {pipeline_mode = #tpu.pipeline_mode<synchronous>, transform_indices = @transform_8, window_bounds = array<i64: 1, 1>}, {pipeline_mode = #tpu.pipeline_mode<synchronous>, transform_indices = @transform_9, window_bounds = array<i64: 64, 64>}, {pipeline_mode = #tpu.pipeline_mode<synchronous>, transform_indices = @transform_10, window_bounds = array<i64: 1, 64>}, {pipeline_mode = #tpu.pipeline_mode<synchronous>, transform_indices = @transform_11, window_bounds = array<i64: 64, 8>}, {pipeline_mode = #tpu.pipeline_mode<synchronous>, transform_indices = @transform_12, window_bounds = array<i64: 1, 8>}, {pipeline_mode = #tpu.pipeline_mode<synchronous>, transform_indices = @transform_13, window_bounds = array<i64: 8, 64, 32>}, {pipeline_mode = #tpu.pipeline_mode<synchronous>, transform_indices = @transform_14, window_bounds = array<i64: 8, 32>}, {transform_indices = @transform_15, window_bounds = array<i64: 2048, 1>}, {transform_indices = @transform_16, window_bounds = array<i64: 2048, 64>}, {transform_indices = @transform_17, window_bounds = array<i64: 2048, 8>}, {transform_indices = @transform_18, window_bounds = array<i64: 2, 2048, 128>}]} {
    %get3A = arith.constant 0 : index
    %get3A_0 = arith.constant 0 : index
    %get3A_1 = vector.load %arg1[%get3A, %get3A_0] : memref<2048x1024xf32, #tpu.memory_space<vmem>>, vector<2048x1024xf32>
    %convert_element_type3A = arith.truncf %get3A_1 : vector<2048x1024xf32> to vector<2048x1024xbf16>
    %get3A_2 = arith.constant 0 : index
    %get3A_3 = arith.constant 0 : index
    %get3A_4 = vector.load %arg2[%get3A_2, %get3A_3] : memref<1024x128xf32, #tpu.memory_space<vmem>>, vector<1024x128xf32>
    %convert_element_type3A_5 = arith.truncf %get3A_4 : vector<1024x128xf32> to vector<1024x128xbf16>
    %get3A_6 = arith.constant 0 : index
    %get3A_7 = arith.constant 0 : index
    %get3A_8 = arith.constant 0 : index
    %get3A_9 = vector.load %arg4[%get3A_6, %get3A_7, %get3A_8] : memref<8x1024x64xf32, #tpu.memory_space<vmem>>, vector<1x1024x64xf32>
    %get3A_10 = vector.shape_cast %get3A_9 : vector<1x1024x64xf32> to vector<1024x64xf32>
    %convert_element_type3A_11 = arith.truncf %get3A_10 : vector<1024x64xf32> to vector<1024x64xbf16>
    %get3A_12 = arith.constant 1 : index
    %get3A_13 = arith.constant 0 : index
    %get3A_14 = arith.constant 0 : index
    %get3A_15 = vector.load %arg4[%get3A_12, %get3A_13, %get3A_14] : memref<8x1024x64xf32, #tpu.memory_space<vmem>>, vector<1x1024x64xf32>
    %get3A_16 = vector.shape_cast %get3A_15 : vector<1x1024x64xf32> to vector<1024x64xf32>
    %convert_element_type3A_17 = arith.truncf %get3A_16 : vector<1024x64xf32> to vector<1024x64xbf16>
    %get3A_18 = arith.constant 2 : index
    %get3A_19 = arith.constant 0 : index
    %get3A_20 = arith.constant 0 : index
    %get3A_21 = vector.load %arg4[%get3A_18, %get3A_19, %get3A_20] : memref<8x1024x64xf32, #tpu.memory_space<vmem>>, vector<1x1024x64xf32>
    %get3A_22 = vector.shape_cast %get3A_21 : vector<1x1024x64xf32> to vector<1024x64xf32>
    %convert_element_type3A_23 = arith.truncf %get3A_22 : vector<1024x64xf32> to vector<1024x64xbf16>
    %get3A_24 = arith.constant 3 : index
    %get3A_25 = arith.constant 0 : index
    %get3A_26 = arith.constant 0 : index
    %get3A_27 = vector.load %arg4[%get3A_24, %get3A_25, %get3A_26] : memref<8x1024x64xf32, #tpu.memory_space<vmem>>, vector<1x1024x64xf32>
    %get3A_28 = vector.shape_cast %get3A_27 : vector<1x1024x64xf32> to vector<1024x64xf32>
    %convert_element_type3A_29 = arith.truncf %get3A_28 : vector<1024x64xf32> to vector<1024x64xbf16>
    %get3A_30 = arith.constant 4 : index
    %get3A_31 = arith.constant 0 : index
    %get3A_32 = arith.constant 0 : index
    %get3A_33 = vector.load %arg4[%get3A_30, %get3A_31, %get3A_32] : memref<8x1024x64xf32, #tpu.memory_space<vmem>>, vector<1x1024x64xf32>
    %get3A_34 = vector.shape_cast %get3A_33 : vector<1x1024x64xf32> to vector<1024x64xf32>
    %convert_element_type3A_35 = arith.truncf %get3A_34 : vector<1024x64xf32> to vector<1024x64xbf16>
    %get3A_36 = arith.constant 5 : index
    %get3A_37 = arith.constant 0 : index
    %get3A_38 = arith.constant 0 : index
    %get3A_39 = vector.load %arg4[%get3A_36, %get3A_37, %get3A_38] : memref<8x1024x64xf32, #tpu.memory_space<vmem>>, vector<1x1024x64xf32>
    %get3A_40 = vector.shape_cast %get3A_39 : vector<1x1024x64xf32> to vector<1024x64xf32>
    %convert_element_type3A_41 = arith.truncf %get3A_40 : vector<1024x64xf32> to vector<1024x64xbf16>
    %get3A_42 = arith.constant 6 : index
    %get3A_43 = arith.constant 0 : index
    %get3A_44 = arith.constant 0 : index
    %get3A_45 = vector.load %arg4[%get3A_42, %get3A_43, %get3A_44] : memref<8x1024x64xf32, #tpu.memory_space<vmem>>, vector<1x1024x64xf32>
    %get3A_46 = vector.shape_cast %get3A_45 : vector<1x1024x64xf32> to vector<1024x64xf32>
    %convert_element_type3A_47 = arith.truncf %get3A_46 : vector<1024x64xf32> to vector<1024x64xbf16>
    %get3A_48 = arith.constant 7 : index
    %get3A_49 = arith.constant 0 : index
    %get3A_50 = arith.constant 0 : index
    %get3A_51 = vector.load %arg4[%get3A_48, %get3A_49, %get3A_50] : memref<8x1024x64xf32, #tpu.memory_space<vmem>>, vector<1x1024x64xf32>
    %get3A_52 = vector.shape_cast %get3A_51 : vector<1x1024x64xf32> to vector<1024x64xf32>
    %convert_element_type3A_53 = arith.truncf %get3A_52 : vector<1024x64xf32> to vector<1024x64xbf16>
    %concatenate3A = tpu.concatenate %convert_element_type3A_5, %convert_element_type3A_11, %convert_element_type3A_17, %convert_element_type3A_23, %convert_element_type3A_29, %convert_element_type3A_35, %convert_element_type3A_41, %convert_element_type3A_47, %convert_element_type3A_53 in 1 : vector<1024x128xbf16>, vector<1024x64xbf16>, vector<1024x64xbf16>, vector<1024x64xbf16>, vector<1024x64xbf16>, vector<1024x64xbf16>, vector<1024x64xbf16>, vector<1024x64xbf16>, vector<1024x64xbf16> -> vector<1024x640xbf16>
    %dot_general3A = arith.constant dense<0.000000e+00> : vector<2048x640xf32>
    %dot_general3A_54 = tpu.matmul %convert_element_type3A, %concatenate3A, %dot_general3A {dimension_numbers = #tpu.dot_dimension_numbers<[1], [0], [0], [1], [0, 0, 1, 1], [], []>, transpose_lhs_hint = false} : vector<2048x1024xbf16>, vector<1024x640xbf16>, vector<2048x640xf32> -> vector<2048x640xf32>
    %slice3A = vector.extract_strided_slice %dot_general3A_54 {offsets = [0, 0], sizes = [2048, 128], strides = [1, 1]} : vector<2048x640xf32> to vector<2048x128xf32>
    %get3A_55 = arith.constant 0 : index
    %get3A_56 = arith.constant 0 : index
    %get3A_57 = vector.load %arg3[%get3A_55, %get3A_56] : memref<1x128xf32, #tpu.memory_space<vmem>>, vector<1x128xf32>
    %add3A = vector.broadcast %get3A_57 : vector<1x128xf32> to vector<2048x128xf32>
    %add3A_58 = arith.addf %slice3A, %add3A : vector<2048x128xf32>
    %max3A = arith.constant 0.000000e+00 : f32
    %max3A_59 = vector.broadcast %max3A : f32 to vector<2048x128xf32>
    %max3A_60 = arith.maximumf %add3A_58, %max3A_59 : vector<2048x128xf32>
    %get3A_61 = arith.constant 0 : index
    %get3A_62 = arith.constant 0 : index
    %get3A_63 = vector.load %arg6[%get3A_61, %get3A_62] : memref<128x64xf32, #tpu.memory_space<vmem>>, vector<128x64xf32>
    %dot_general3A_64 = arith.constant dense<0.000000e+00> : vector<2048x64xf32>
    %dot_general3A_65 = tpu.matmul %max3A_60, %get3A_63, %dot_general3A_64 {dimension_numbers = #tpu.dot_dimension_numbers<[1], [0], [0], [1], [0, 0, 1, 1], [], []>, transpose_lhs_hint = false} : vector<2048x128xf32>, vector<128x64xf32>, vector<2048x64xf32> -> vector<2048x64xf32>
    %get3A_66 = arith.constant 0 : index
    %get3A_67 = arith.constant 0 : index
    %get3A_68 = vector.load %arg7[%get3A_66, %get3A_67] : memref<1x64xf32, #tpu.memory_space<vmem>>, vector<1x64xf32>
    %add3A_69 = vector.broadcast %get3A_68 : vector<1x64xf32> to vector<2048x64xf32>
    %add3A_70 = arith.addf %dot_general3A_65, %add3A_69 : vector<2048x64xf32>
    %swap3A = arith.constant 0 : index
    %swap3A_71 = arith.constant 0 : index
    %swap3A_72 = vector.load %arg17[%swap3A, %swap3A_71] : memref<2048x64xf32, #tpu.memory_space<vmem>>, vector<2048x64xf32>
    tpu.vector_store %arg17[%swap3A, %swap3A_71], %add3A_70 {strides = array<i32>} : memref<2048x64xf32, #tpu.memory_space<vmem>>, vector<2048x64xf32>,
    %get3A_73 = arith.constant 0 : index
    %get3A_74 = arith.constant 0 : index
    %get3A_75 = vector.load %arg8[%get3A_73, %get3A_74] : memref<64x1xf32, #tpu.memory_space<vmem>>, vector<64x1xf32>
    %dot_general3A_76 = arith.constant dense<0.000000e+00> : vector<2048x1xf32>
    %dot_general3A_77 = tpu.matmul %add3A_70, %get3A_75, %dot_general3A_76 {dimension_numbers = #tpu.dot_dimension_numbers<[1], [0], [0], [1], [0, 0, 1, 1], [], []>, transpose_lhs_hint = false} : vector<2048x64xf32>, vector<64x1xf32>, vector<2048x1xf32> -> vector<2048x1xf32>
    %get3A_78 = arith.constant 0 : index
    %get3A_79 = arith.constant 0 : index
    %get3A_80 = vector.load %arg9[%get3A_78, %get3A_79] : memref<1x1xf32, #tpu.memory_space<vmem>>, vector<1x1xf32>
    %add3A_81 = vector.broadcast %get3A_80 : vector<1x1xf32> to vector<2048x1xf32>
    %add3A_82 = arith.addf %dot_general3A_77, %add3A_81 : vector<2048x1xf32>
    %swap3A_83 = arith.constant 0 : index
    %swap3A_84 = arith.constant 0 : index
    %swap3A_85 = vector.load %arg16[%swap3A_83, %swap3A_84] : memref<2048x1xf32, #tpu.memory_space<vmem>>, vector<2048x1xf32>
    tpu.vector_store %arg16[%swap3A_83, %swap3A_84], %add3A_82 {strides = array<i32>} : memref<2048x1xf32, #tpu.memory_space<vmem>>, vector<2048x1xf32>,
    %get3A_86 = arith.constant 0 : index
    %get3A_87 = arith.constant 0 : index
    %get3A_88 = vector.load %arg10[%get3A_86, %get3A_87] : memref<64x64xf32, #tpu.memory_space<vmem>>, vector<64x64xf32>
    %dot_general3A_89 = arith.constant dense<0.000000e+00> : vector<2048x64xf32>
    %dot_general3A_90 = tpu.matmul %add3A_70, %get3A_88, %dot_general3A_89 {dimension_numbers = #tpu.dot_dimension_numbers<[1], [0], [0], [1], [0, 0, 1, 1], [], []>, transpose_lhs_hint = false} : vector<2048x64xf32>, vector<64x64xf32>, vector<2048x64xf32> -> vector<2048x64xf32>
    %get3A_91 = arith.constant 0 : index
    %get3A_92 = arith.constant 0 : index
    %get3A_93 = vector.load %arg11[%get3A_91, %get3A_92] : memref<1x64xf32, #tpu.memory_space<vmem>>, vector<1x64xf32>
    %add3A_94 = vector.broadcast %get3A_93 : vector<1x64xf32> to vector<2048x64xf32>
    %add3A_95 = arith.addf %dot_general3A_90, %add3A_94 : vector<2048x64xf32>
    %max3A_96 = arith.constant 0.000000e+00 : f32
    %max3A_97 = vector.broadcast %max3A_96 : f32 to vector<2048x64xf32>
    %max3A_98 = arith.maximumf %add3A_95, %max3A_97 : vector<2048x64xf32>
    %get3A_99 = arith.constant 0 : index
    %get3A_100 = arith.constant 0 : index
    %get3A_101 = vector.load %arg12[%get3A_99, %get3A_100] : memref<64x8xf32, #tpu.memory_space<vmem>>, vector<64x8xf32>
    %dot_general3A_102 = arith.constant dense<0.000000e+00> : vector<2048x8xf32>
    %dot_general3A_103 = tpu.matmul %max3A_98, %get3A_101, %dot_general3A_102 {dimension_numbers = #tpu.dot_dimension_numbers<[1], [0], [0], [1], [0, 0, 1, 1], [], []>, transpose_lhs_hint = false} : vector<2048x64xf32>, vector<64x8xf32>, vector<2048x8xf32> -> vector<2048x8xf32>
    %get3A_104 = arith.constant 0 : index
    %get3A_105 = arith.constant 0 : index
    %get3A_106 = vector.load %arg13[%get3A_104, %get3A_105] : memref<1x8xf32, #tpu.memory_space<vmem>>, vector<1x8xf32>
    %add3A_107 = vector.broadcast %get3A_106 : vector<1x8xf32> to vector<2048x8xf32>
    %add3A_108 = arith.addf %dot_general3A_103, %add3A_107 : vector<2048x8xf32>
    %swap3A_109 = arith.constant 0 : index
    %swap3A_110 = arith.constant 0 : index
    %swap3A_111 = vector.load %arg18[%swap3A_109, %swap3A_110] : memref<2048x8xf32, #tpu.memory_space<vmem>>, vector<2048x8xf32>
    tpu.vector_store %arg18[%swap3A_109, %swap3A_110], %add3A_108 {strides = array<i32>} : memref<2048x8xf32, #tpu.memory_space<vmem>>, vector<2048x8xf32>,
    %slice3A_112 = vector.extract_strided_slice %dot_general3A_54 {offsets = [0, 128], sizes = [2048, 64], strides = [1, 1]} : vector<2048x640xf32> to vector<2048x64xf32>
    %get3A_113 = arith.constant 0 : index
    %get3A_114 = arith.constant 0 : index
    %get3A_115 = vector.load %arg5[%get3A_113, %get3A_114] : memref<8x64xf32, #tpu.memory_space<vmem>>, vector<1x64xf32>
    %get3A_116 = vector.shape_cast %get3A_115 : vector<1x64xf32> to vector<64xf32>
    %broadcast_in_dim3A = vector.shape_cast %get3A_116 : vector<64xf32> to vector<1x64xf32>
    %add3A_117 = vector.broadcast %broadcast_in_dim3A : vector<1x64xf32> to vector<2048x64xf32>
    %add3A_118 = arith.addf %slice3A_112, %add3A_117 : vector<2048x64xf32>
    %max3A_119 = arith.constant 0.000000e+00 : f32
    %max3A_120 = vector.broadcast %max3A_119 : f32 to vector<2048x64xf32>
    %max3A_121 = arith.maximumf %add3A_118, %max3A_120 : vector<2048x64xf32>
    %get3A_122 = arith.constant 0 : index
    %get3A_123 = arith.constant 0 : index
    %get3A_124 = arith.constant 0 : index
    %get3A_125 = vector.load %arg14[%get3A_122, %get3A_123, %get3A_124] : memref<8x64x32xf32, #tpu.memory_space<vmem>>, vector<1x64x32xf32>
    %get3A_126 = vector.shape_cast %get3A_125 : vector<1x64x32xf32> to vector<64x32xf32>
    %dot_general3A_127 = arith.constant dense<0.000000e+00> : vector<2048x32xf32>
    %dot_general3A_128 = tpu.matmul %max3A_121, %get3A_126, %dot_general3A_127 {dimension_numbers = #tpu.dot_dimension_numbers<[1], [0], [0], [1], [0, 0, 1, 1], [], []>, transpose_lhs_hint = false} : vector<2048x64xf32>, vector<64x32xf32>, vector<2048x32xf32> -> vector<2048x32xf32>
    %get3A_129 = arith.constant 0 : index
    %get3A_130 = arith.constant 0 : index
    %get3A_131 = vector.load %arg15[%get3A_129, %get3A_130] : memref<8x32xf32, #tpu.memory_space<vmem>>, vector<1x32xf32>
    %get3A_132 = vector.shape_cast %get3A_131 : vector<1x32xf32> to vector<32xf32>
    %broadcast_in_dim3A_133 = vector.shape_cast %get3A_132 : vector<32xf32> to vector<1x32xf32>
    %add3A_134 = vector.broadcast %broadcast_in_dim3A_133 : vector<1x32xf32> to vector<2048x32xf32>
    %add3A_135 = arith.addf %dot_general3A_128, %add3A_134 : vector<2048x32xf32>
    %slice3A_136 = vector.extract_strided_slice %dot_general3A_54 {offsets = [0, 192], sizes = [2048, 64], strides = [1, 1]} : vector<2048x640xf32> to vector<2048x64xf32>
    %get3A_137 = arith.constant 1 : index
    %get3A_138 = arith.constant 0 : index
    %get3A_139 = vector.load %arg5[%get3A_137, %get3A_138] : memref<8x64xf32, #tpu.memory_space<vmem>>, vector<1x64xf32>
    %get3A_140 = vector.shape_cast %get3A_139 : vector<1x64xf32> to vector<64xf32>
    %broadcast_in_dim3A_141 = vector.shape_cast %get3A_140 : vector<64xf32> to vector<1x64xf32>
    %add3A_142 = vector.broadcast %broadcast_in_dim3A_141 : vector<1x64xf32> to vector<2048x64xf32>
    %add3A_143 = arith.addf %slice3A_136, %add3A_142 : vector<2048x64xf32>
    %max3A_144 = arith.constant 0.000000e+00 : f32
    %max3A_145 = vector.broadcast %max3A_144 : f32 to vector<2048x64xf32>
    %max3A_146 = arith.maximumf %add3A_143, %max3A_145 : vector<2048x64xf32>
    %get3A_147 = arith.constant 1 : index
    %get3A_148 = arith.constant 0 : index
    %get3A_149 = arith.constant 0 : index
    %get3A_150 = vector.load %arg14[%get3A_147, %get3A_148, %get3A_149] : memref<8x64x32xf32, #tpu.memory_space<vmem>>, vector<1x64x32xf32>
    %get3A_151 = vector.shape_cast %get3A_150 : vector<1x64x32xf32> to vector<64x32xf32>
    %dot_general3A_152 = arith.constant dense<0.000000e+00> : vector<2048x32xf32>
    %dot_general3A_153 = tpu.matmul %max3A_146, %get3A_151, %dot_general3A_152 {dimension_numbers = #tpu.dot_dimension_numbers<[1], [0], [0], [1], [0, 0, 1, 1], [], []>, transpose_lhs_hint = false} : vector<2048x64xf32>, vector<64x32xf32>, vector<2048x32xf32> -> vector<2048x32xf32>
    %get3A_154 = arith.constant 1 : index
    %get3A_155 = arith.constant 0 : index
    %get3A_156 = vector.load %arg15[%get3A_154, %get3A_155] : memref<8x32xf32, #tpu.memory_space<vmem>>, vector<1x32xf32>
    %get3A_157 = vector.shape_cast %get3A_156 : vector<1x32xf32> to vector<32xf32>
    %broadcast_in_dim3A_158 = vector.shape_cast %get3A_157 : vector<32xf32> to vector<1x32xf32>
    %add3A_159 = vector.broadcast %broadcast_in_dim3A_158 : vector<1x32xf32> to vector<2048x32xf32>
    %add3A_160 = arith.addf %dot_general3A_153, %add3A_159 : vector<2048x32xf32>
    %slice3A_161 = vector.extract_strided_slice %dot_general3A_54 {offsets = [0, 256], sizes = [2048, 64], strides = [1, 1]} : vector<2048x640xf32> to vector<2048x64xf32>
    %get3A_162 = arith.constant 2 : index
    %get3A_163 = arith.constant 0 : index
    %get3A_164 = vector.load %arg5[%get3A_162, %get3A_163] : memref<8x64xf32, #tpu.memory_space<vmem>>, vector<1x64xf32>
    %get3A_165 = vector.shape_cast %get3A_164 : vector<1x64xf32> to vector<64xf32>
    %broadcast_in_dim3A_166 = vector.shape_cast %get3A_165 : vector<64xf32> to vector<1x64xf32>
    %add3A_167 = vector.broadcast %broadcast_in_dim3A_166 : vector<1x64xf32> to vector<2048x64xf32>
    %add3A_168 = arith.addf %slice3A_161, %add3A_167 : vector<2048x64xf32>
    %max3A_169 = arith.constant 0.000000e+00 : f32
    %max3A_170 = vector.broadcast %max3A_169 : f32 to vector<2048x64xf32>
    %max3A_171 = arith.maximumf %add3A_168, %max3A_170 : vector<2048x64xf32>
    %get3A_172 = arith.constant 2 : index
    %get3A_173 = arith.constant 0 : index
    %get3A_174 = arith.constant 0 : index
    %get3A_175 = vector.load %arg14[%get3A_172, %get3A_173, %get3A_174] : memref<8x64x32xf32, #tpu.memory_space<vmem>>, vector<1x64x32xf32>
    %get3A_176 = vector.shape_cast %get3A_175 : vector<1x64x32xf32> to vector<64x32xf32>
    %dot_general3A_177 = arith.constant dense<0.000000e+00> : vector<2048x32xf32>
    %dot_general3A_178 = tpu.matmul %max3A_171, %get3A_176, %dot_general3A_177 {dimension_numbers = #tpu.dot_dimension_numbers<[1], [0], [0], [1], [0, 0, 1, 1], [], []>, transpose_lhs_hint = false} : vector<2048x64xf32>, vector<64x32xf32>, vector<2048x32xf32> -> vector<2048x32xf32>
    %get3A_179 = arith.constant 2 : index
    %get3A_180 = arith.constant 0 : index
    %get3A_181 = vector.load %arg15[%get3A_179, %get3A_180] : memref<8x32xf32, #tpu.memory_space<vmem>>, vector<1x32xf32>
    %get3A_182 = vector.shape_cast %get3A_181 : vector<1x32xf32> to vector<32xf32>
    %broadcast_in_dim3A_183 = vector.shape_cast %get3A_182 : vector<32xf32> to vector<1x32xf32>
    %add3A_184 = vector.broadcast %broadcast_in_dim3A_183 : vector<1x32xf32> to vector<2048x32xf32>
    %add3A_185 = arith.addf %dot_general3A_178, %add3A_184 : vector<2048x32xf32>
    %slice3A_186 = vector.extract_strided_slice %dot_general3A_54 {offsets = [0, 320], sizes = [2048, 64], strides = [1, 1]} : vector<2048x640xf32> to vector<2048x64xf32>
    %get3A_187 = arith.constant 3 : index
    %get3A_188 = arith.constant 0 : index
    %get3A_189 = vector.load %arg5[%get3A_187, %get3A_188] : memref<8x64xf32, #tpu.memory_space<vmem>>, vector<1x64xf32>
    %get3A_190 = vector.shape_cast %get3A_189 : vector<1x64xf32> to vector<64xf32>
    %broadcast_in_dim3A_191 = vector.shape_cast %get3A_190 : vector<64xf32> to vector<1x64xf32>
    %add3A_192 = vector.broadcast %broadcast_in_dim3A_191 : vector<1x64xf32> to vector<2048x64xf32>
    %add3A_193 = arith.addf %slice3A_186, %add3A_192 : vector<2048x64xf32>
    %max3A_194 = arith.constant 0.000000e+00 : f32
    %max3A_195 = vector.broadcast %max3A_194 : f32 to vector<2048x64xf32>
    %max3A_196 = arith.maximumf %add3A_193, %max3A_195 : vector<2048x64xf32>
    %get3A_197 = arith.constant 3 : index
    %get3A_198 = arith.constant 0 : index
    %get3A_199 = arith.constant 0 : index
    %get3A_200 = vector.load %arg14[%get3A_197, %get3A_198, %get3A_199] : memref<8x64x32xf32, #tpu.memory_space<vmem>>, vector<1x64x32xf32>
    %get3A_201 = vector.shape_cast %get3A_200 : vector<1x64x32xf32> to vector<64x32xf32>
    %dot_general3A_202 = arith.constant dense<0.000000e+00> : vector<2048x32xf32>
    %dot_general3A_203 = tpu.matmul %max3A_196, %get3A_201, %dot_general3A_202 {dimension_numbers = #tpu.dot_dimension_numbers<[1], [0], [0], [1], [0, 0, 1, 1], [], []>, transpose_lhs_hint = false} : vector<2048x64xf32>, vector<64x32xf32>, vector<2048x32xf32> -> vector<2048x32xf32>
    %get3A_204 = arith.constant 3 : index
    %get3A_205 = arith.constant 0 : index
    %get3A_206 = vector.load %arg15[%get3A_204, %get3A_205] : memref<8x32xf32, #tpu.memory_space<vmem>>, vector<1x32xf32>
    %get3A_207 = vector.shape_cast %get3A_206 : vector<1x32xf32> to vector<32xf32>
    %broadcast_in_dim3A_208 = vector.shape_cast %get3A_207 : vector<32xf32> to vector<1x32xf32>
    %add3A_209 = vector.broadcast %broadcast_in_dim3A_208 : vector<1x32xf32> to vector<2048x32xf32>
    %add3A_210 = arith.addf %dot_general3A_203, %add3A_209 : vector<2048x32xf32>
    %concatenate3A_211 = tpu.concatenate %add3A_135, %add3A_160, %add3A_185, %add3A_210 in 1 : vector<2048x32xf32>, vector<2048x32xf32>, vector<2048x32xf32>, vector<2048x32xf32> -> vector<2048x128xf32>
    %swap3A_212 = arith.constant 0 : index
    %swap3A_213 = arith.constant 0 : index
    %swap3A_214 = arith.constant 0 : index
    %swap3A_215 = vector.load %arg19[%swap3A_212, %swap3A_213, %swap3A_214] : memref<2x2048x128xf32, #tpu.memory_space<vmem>>, vector<1x2048x128xf32>
    %swap3A_216 = vector.shape_cast %swap3A_215 : vector<1x2048x128xf32> to vector<2048x128xf32>
    %swap3A_217 = vector.shape_cast %concatenate3A_211 : vector<2048x128xf32> to vector<1x2048x128xf32>
    tpu.vector_store %arg19[%swap3A_212, %swap3A_213, %swap3A_214], %swap3A_217 {strides = array<i32>} : memref<2x2048x128xf32, #tpu.memory_space<vmem>>, vector<1x2048x128xf32>,
    %slice3A_218 = vector.extract_strided_slice %dot_general3A_54 {offsets = [0, 384], sizes = [2048, 64], strides = [1, 1]} : vector<2048x640xf32> to vector<2048x64xf32>
    %get3A_219 = arith.constant 4 : index
    %get3A_220 = arith.constant 0 : index
    %get3A_221 = vector.load %arg5[%get3A_219, %get3A_220] : memref<8x64xf32, #tpu.memory_space<vmem>>, vector<1x64xf32>
    %get3A_222 = vector.shape_cast %get3A_221 : vector<1x64xf32> to vector<64xf32>
    %broadcast_in_dim3A_223 = vector.shape_cast %get3A_222 : vector<64xf32> to vector<1x64xf32>
    %add3A_224 = vector.broadcast %broadcast_in_dim3A_223 : vector<1x64xf32> to vector<2048x64xf32>
    %add3A_225 = arith.addf %slice3A_218, %add3A_224 : vector<2048x64xf32>
    %max3A_226 = arith.constant 0.000000e+00 : f32
    %max3A_227 = vector.broadcast %max3A_226 : f32 to vector<2048x64xf32>
    %max3A_228 = arith.maximumf %add3A_225, %max3A_227 : vector<2048x64xf32>
    %get3A_229 = arith.constant 4 : index
    %get3A_230 = arith.constant 0 : index
    %get3A_231 = arith.constant 0 : index
    %get3A_232 = vector.load %arg14[%get3A_229, %get3A_230, %get3A_231] : memref<8x64x32xf32, #tpu.memory_space<vmem>>, vector<1x64x32xf32>
    %get3A_233 = vector.shape_cast %get3A_232 : vector<1x64x32xf32> to vector<64x32xf32>
    %dot_general3A_234 = arith.constant dense<0.000000e+00> : vector<2048x32xf32>
    %dot_general3A_235 = tpu.matmul %max3A_228, %get3A_233, %dot_general3A_234 {dimension_numbers = #tpu.dot_dimension_numbers<[1], [0], [0], [1], [0, 0, 1, 1], [], []>, transpose_lhs_hint = false} : vector<2048x64xf32>, vector<64x32xf32>, vector<2048x32xf32> -> vector<2048x32xf32>
    %get3A_236 = arith.constant 4 : index
    %get3A_237 = arith.constant 0 : index
    %get3A_238 = vector.load %arg15[%get3A_236, %get3A_237] : memref<8x32xf32, #tpu.memory_space<vmem>>, vector<1x32xf32>
    %get3A_239 = vector.shape_cast %get3A_238 : vector<1x32xf32> to vector<32xf32>
    %broadcast_in_dim3A_240 = vector.shape_cast %get3A_239 : vector<32xf32> to vector<1x32xf32>
    %add3A_241 = vector.broadcast %broadcast_in_dim3A_240 : vector<1x32xf32> to vector<2048x32xf32>
    %add3A_242 = arith.addf %dot_general3A_235, %add3A_241 : vector<2048x32xf32>
    %slice3A_243 = vector.extract_strided_slice %dot_general3A_54 {offsets = [0, 448], sizes = [2048, 64], strides = [1, 1]} : vector<2048x640xf32> to vector<2048x64xf32>
    %get3A_244 = arith.constant 5 : index
    %get3A_245 = arith.constant 0 : index
    %get3A_246 = vector.load %arg5[%get3A_244, %get3A_245] : memref<8x64xf32, #tpu.memory_space<vmem>>, vector<1x64xf32>
    %get3A_247 = vector.shape_cast %get3A_246 : vector<1x64xf32> to vector<64xf32>
    %broadcast_in_dim3A_248 = vector.shape_cast %get3A_247 : vector<64xf32> to vector<1x64xf32>
    %add3A_249 = vector.broadcast %broadcast_in_dim3A_248 : vector<1x64xf32> to vector<2048x64xf32>
    %add3A_250 = arith.addf %slice3A_243, %add3A_249 : vector<2048x64xf32>
    %max3A_251 = arith.constant 0.000000e+00 : f32
    %max3A_252 = vector.broadcast %max3A_251 : f32 to vector<2048x64xf32>
    %max3A_253 = arith.maximumf %add3A_250, %max3A_252 : vector<2048x64xf32>
    %get3A_254 = arith.constant 5 : index
    %get3A_255 = arith.constant 0 : index
    %get3A_256 = arith.constant 0 : index
    %get3A_257 = vector.load %arg14[%get3A_254, %get3A_255, %get3A_256] : memref<8x64x32xf32, #tpu.memory_space<vmem>>, vector<1x64x32xf32>
    %get3A_258 = vector.shape_cast %get3A_257 : vector<1x64x32xf32> to vector<64x32xf32>
    %dot_general3A_259 = arith.constant dense<0.000000e+00> : vector<2048x32xf32>
    %dot_general3A_260 = tpu.matmul %max3A_253, %get3A_258, %dot_general3A_259 {dimension_numbers = #tpu.dot_dimension_numbers<[1], [0], [0], [1], [0, 0, 1, 1], [], []>, transpose_lhs_hint = false} : vector<2048x64xf32>, vector<64x32xf32>, vector<2048x32xf32> -> vector<2048x32xf32>
    %get3A_261 = arith.constant 5 : index
    %get3A_262 = arith.constant 0 : index
    %get3A_263 = vector.load %arg15[%get3A_261, %get3A_262] : memref<8x32xf32, #tpu.memory_space<vmem>>, vector<1x32xf32>
    %get3A_264 = vector.shape_cast %get3A_263 : vector<1x32xf32> to vector<32xf32>
    %broadcast_in_dim3A_265 = vector.shape_cast %get3A_264 : vector<32xf32> to vector<1x32xf32>
    %add3A_266 = vector.broadcast %broadcast_in_dim3A_265 : vector<1x32xf32> to vector<2048x32xf32>
    %add3A_267 = arith.addf %dot_general3A_260, %add3A_266 : vector<2048x32xf32>
    %slice3A_268 = vector.extract_strided_slice %dot_general3A_54 {offsets = [0, 512], sizes = [2048, 64], strides = [1, 1]} : vector<2048x640xf32> to vector<2048x64xf32>
    %get3A_269 = arith.constant 6 : index
    %get3A_270 = arith.constant 0 : index
    %get3A_271 = vector.load %arg5[%get3A_269, %get3A_270] : memref<8x64xf32, #tpu.memory_space<vmem>>, vector<1x64xf32>
    %get3A_272 = vector.shape_cast %get3A_271 : vector<1x64xf32> to vector<64xf32>
    %broadcast_in_dim3A_273 = vector.shape_cast %get3A_272 : vector<64xf32> to vector<1x64xf32>
    %add3A_274 = vector.broadcast %broadcast_in_dim3A_273 : vector<1x64xf32> to vector<2048x64xf32>
    %add3A_275 = arith.addf %slice3A_268, %add3A_274 : vector<2048x64xf32>
    %max3A_276 = arith.constant 0.000000e+00 : f32
    %max3A_277 = vector.broadcast %max3A_276 : f32 to vector<2048x64xf32>
    %max3A_278 = arith.maximumf %add3A_275, %max3A_277 : vector<2048x64xf32>
    %get3A_279 = arith.constant 6 : index
    %get3A_280 = arith.constant 0 : index
    %get3A_281 = arith.constant 0 : index
    %get3A_282 = vector.load %arg14[%get3A_279, %get3A_280, %get3A_281] : memref<8x64x32xf32, #tpu.memory_space<vmem>>, vector<1x64x32xf32>
    %get3A_283 = vector.shape_cast %get3A_282 : vector<1x64x32xf32> to vector<64x32xf32>
    %dot_general3A_284 = arith.constant dense<0.000000e+00> : vector<2048x32xf32>
    %dot_general3A_285 = tpu.matmul %max3A_278, %get3A_283, %dot_general3A_284 {dimension_numbers = #tpu.dot_dimension_numbers<[1], [0], [0], [1], [0, 0, 1, 1], [], []>, transpose_lhs_hint = false} : vector<2048x64xf32>, vector<64x32xf32>, vector<2048x32xf32> -> vector<2048x32xf32>
    %get3A_286 = arith.constant 6 : index
    %get3A_287 = arith.constant 0 : index
    %get3A_288 = vector.load %arg15[%get3A_286, %get3A_287] : memref<8x32xf32, #tpu.memory_space<vmem>>, vector<1x32xf32>
    %get3A_289 = vector.shape_cast %get3A_288 : vector<1x32xf32> to vector<32xf32>
    %broadcast_in_dim3A_290 = vector.shape_cast %get3A_289 : vector<32xf32> to vector<1x32xf32>
    %add3A_291 = vector.broadcast %broadcast_in_dim3A_290 : vector<1x32xf32> to vector<2048x32xf32>
    %add3A_292 = arith.addf %dot_general3A_285, %add3A_291 : vector<2048x32xf32>
    %slice3A_293 = vector.extract_strided_slice %dot_general3A_54 {offsets = [0, 576], sizes = [2048, 64], strides = [1, 1]} : vector<2048x640xf32> to vector<2048x64xf32>
    %get3A_294 = arith.constant 7 : index
    %get3A_295 = arith.constant 0 : index
    %get3A_296 = vector.load %arg5[%get3A_294, %get3A_295] : memref<8x64xf32, #tpu.memory_space<vmem>>, vector<1x64xf32>
    %get3A_297 = vector.shape_cast %get3A_296 : vector<1x64xf32> to vector<64xf32>
    %broadcast_in_dim3A_298 = vector.shape_cast %get3A_297 : vector<64xf32> to vector<1x64xf32>
    %add3A_299 = vector.broadcast %broadcast_in_dim3A_298 : vector<1x64xf32> to vector<2048x64xf32>
    %add3A_300 = arith.addf %slice3A_293, %add3A_299 : vector<2048x64xf32>
    %max3A_301 = arith.constant 0.000000e+00 : f32
    %max3A_302 = vector.broadcast %max3A_301 : f32 to vector<2048x64xf32>
    %max3A_303 = arith.maximumf %add3A_300, %max3A_302 : vector<2048x64xf32>
    %get3A_304 = arith.constant 7 : index
    %get3A_305 = arith.constant 0 : index
    %get3A_306 = arith.constant 0 : index
    %get3A_307 = vector.load %arg14[%get3A_304, %get3A_305, %get3A_306] : memref<8x64x32xf32, #tpu.memory_space<vmem>>, vector<1x64x32xf32>
    %get3A_308 = vector.shape_cast %get3A_307 : vector<1x64x32xf32> to vector<64x32xf32>
    %dot_general3A_309 = arith.constant dense<0.000000e+00> : vector<2048x32xf32>
    %dot_general3A_310 = tpu.matmul %max3A_303, %get3A_308, %dot_general3A_309 {dimension_numbers = #tpu.dot_dimension_numbers<[1], [0], [0], [1], [0, 0, 1, 1], [], []>, transpose_lhs_hint = false} : vector<2048x64xf32>, vector<64x32xf32>, vector<2048x32xf32> -> vector<2048x32xf32>
    %get3A_311 = arith.constant 7 : index
    %get3A_312 = arith.constant 0 : index
    %get3A_313 = vector.load %arg15[%get3A_311, %get3A_312] : memref<8x32xf32, #tpu.memory_space<vmem>>, vector<1x32xf32>
    %get3A_314 = vector.shape_cast %get3A_313 : vector<1x32xf32> to vector<32xf32>
    %broadcast_in_dim3A_315 = vector.shape_cast %get3A_314 : vector<32xf32> to vector<1x32xf32>
    %add3A_316 = vector.broadcast %broadcast_in_dim3A_315 : vector<1x32xf32> to vector<2048x32xf32>
    %add3A_317 = arith.addf %dot_general3A_310, %add3A_316 : vector<2048x32xf32>
    %concatenate3A_318 = tpu.concatenate %add3A_242, %add3A_267, %add3A_292, %add3A_317 in 1 : vector<2048x32xf32>, vector<2048x32xf32>, vector<2048x32xf32>, vector<2048x32xf32> -> vector<2048x128xf32>
    %swap3A_319 = arith.constant 1 : index
    %swap3A_320 = arith.constant 0 : index
    %swap3A_321 = arith.constant 0 : index
    %swap3A_322 = vector.load %arg19[%swap3A_319, %swap3A_320, %swap3A_321] : memref<2x2048x128xf32, #tpu.memory_space<vmem>>, vector<1x2048x128xf32>
    %swap3A_323 = vector.shape_cast %swap3A_322 : vector<1x2048x128xf32> to vector<2048x128xf32>
    %swap3A_324 = vector.shape_cast %concatenate3A_318 : vector<2048x128xf32> to vector<1x2048x128xf32>
    tpu.vector_store %arg19[%swap3A_319, %swap3A_320, %swap3A_321], %swap3A_324 {strides = array<i32>} : memref<2x2048x128xf32, #tpu.memory_space<vmem>>, vector<1x2048x128xf32>,
    return
  }
  func.func @transform_0(%arg0: i32) -> (i32, i32) {
    %c0_i32 = arith.constant 0 : i32
    %c0_i32_0 = arith.constant 0 : i32
    return %arg0, %c0_i32 : i32, i32
  }
  func.func @transform_1(%arg0: i32) -> (i32, i32) {
    %c0_i32 = arith.constant 0 : i32
    %c0_i32_0 = arith.constant 0 : i32
    %c0_i32_1 = arith.constant 0 : i32
    return %c0_i32, %c0_i32_0 : i32, i32
  }
  func.func @transform_2(%arg0: i32) -> (i32, i32) {
    %c0_i32 = arith.constant 0 : i32
    %c0_i32_0 = arith.constant 0 : i32
    %c0_i32_1 = arith.constant 0 : i32
    return %c0_i32, %c0_i32_0 : i32, i32
  }
  func.func @transform_3(%arg0: i32) -> (i32, i32, i32) {
    %c0_i32 = arith.constant 0 : i32
    %c0_i32_0 = arith.constant 0 : i32
    %c0_i32_1 = arith.constant 0 : i32
    %c0_i32_2 = arith.constant 0 : i32
    return %c0_i32, %c0_i32_0, %c0_i32_1 : i32, i32, i32
  }
  func.func @transform_4(%arg0: i32) -> (i32, i32) {
    %c0_i32 = arith.constant 0 : i32
    %c0_i32_0 = arith.constant 0 : i32
    %c0_i32_1 = arith.constant 0 : i32
    return %c0_i32, %c0_i32_0 : i32, i32
  }
  func.func @transform_5(%arg0: i32) -> (i32, i32) {
    %c0_i32 = arith.constant 0 : i32
    %c0_i32_0 = arith.constant 0 : i32
    %c0_i32_1 = arith.constant 0 : i32
    return %c0_i32, %c0_i32_0 : i32, i32
  }
  func.func @transform_6(%arg0: i32) -> (i32, i32) {
    %c0_i32 = arith.constant 0 : i32
    %c0_i32_0 = arith.constant 0 : i32
    %c0_i32_1 = arith.constant 0 : i32
    return %c0_i32, %c0_i32_0 : i32, i32
  }
  func.func @transform_7(%arg0: i32) -> (i32, i32) {
    %c0_i32 = arith.constant 0 : i32
    %c0_i32_0 = arith.constant 0 : i32
    %c0_i32_1 = arith.constant 0 : i32
    return %c0_i32, %c0_i32_0 : i32, i32
  }
  func.func @transform_8(%arg0: i32) -> (i32, i32) {
    %c0_i32 = arith.constant 0 : i32
    %c0_i32_0 = arith.constant 0 : i32
    %c0_i32_1 = arith.constant 0 : i32
    return %c0_i32, %c0_i32_0 : i32, i32
  }
  func.func @transform_9(%arg0: i32) -> (i32, i32) {
    %c0_i32 = arith.constant 0 : i32
    %c0_i32_0 = arith.constant 0 : i32
    %c0_i32_1 = arith.constant 0 : i32
    return %c0_i32, %c0_i32_0 : i32, i32
  }
  func.func @transform_10(%arg0: i32) -> (i32, i32) {
    %c0_i32 = arith.constant 0 : i32
    %c0_i32_0 = arith.constant 0 : i32
    %c0_i32_1 = arith.constant 0 : i32
    return %c0_i32, %c0_i32_0 : i32, i32
  }
  func.func @transform_11(%arg0: i32) -> (i32, i32) {
    %c0_i32 = arith.constant 0 : i32
    %c0_i32_0 = arith.constant 0 : i32
    %c0_i32_1 = arith.constant 0 : i32
    return %c0_i32, %c0_i32_0 : i32, i32
  }
  func.func @transform_12(%arg0: i32) -> (i32, i32) {
    %c0_i32 = arith.constant 0 : i32
    %c0_i32_0 = arith.constant 0 : i32
    %c0_i32_1 = arith.constant 0 : i32
    return %c0_i32, %c0_i32_0 : i32, i32
  }
  func.func @transform_13(%arg0: i32) -> (i32, i32, i32) {
    %c0_i32 = arith.constant 0 : i32
    %c0_i32_0 = arith.constant 0 : i32
    %c0_i32_1 = arith.constant 0 : i32
    %c0_i32_2 = arith.constant 0 : i32
    return %c0_i32, %c0_i32_0, %c0_i32_1 : i32, i32, i32
  }
  func.func @transform_14(%arg0: i32) -> (i32, i32) {
    %c0_i32 = arith.constant 0 : i32
    %c0_i32_0 = arith.constant 0 : i32
    %c0_i32_1 = arith.constant 0 : i32
    return %c0_i32, %c0_i32_0 : i32, i32
  }
  func.func @transform_15(%arg0: i32) -> (i32, i32) {
    %c0_i32 = arith.constant 0 : i32
    %c0_i32_0 = arith.constant 0 : i32
    return %arg0, %c0_i32 : i32, i32
  }
  func.func @transform_16(%arg0: i32) -> (i32, i32) {
    %c0_i32 = arith.constant 0 : i32
    %c0_i32_0 = arith.constant 0 : i32
    return %arg0, %c0_i32 : i32, i32
  }
  func.func @transform_17(%arg0: i32) -> (i32, i32) {
    %c0_i32 = arith.constant 0 : i32
    %c0_i32_0 = arith.constant 0 : i32
    return %arg0, %c0_i32 : i32, i32
  }
  func.func @transform_18(%arg0: i32) -> (i32, i32, i32) {
    %c0_i32 = arith.constant 0 : i32
    %c0_i32_0 = arith.constant 0 : i32
    %c0_i32_1 = arith.constant 0 : i32
    return %c0_i32, %arg0, %c0_i32_0 : i32, i32, i32
  }
}

module attributes {stable_mosaic.version = 14 : i64} {
  func.func @_ksel_body(%arg0: i32, %arg1: memref<2048x1xi32, #tpu.memory_space<vmem>>, %arg2: memref<2048x128xf32, #tpu.memory_space<vmem>>, %arg3: memref<2048x32xf32, #tpu.memory_space<vmem>>) attributes {dimension_semantics = [#tpu.dimension_semantics<arbitrary>], iteration_bounds = array<i64: 4>, scalar_prefetch = 0 : i64, scratch_operands = 0 : i64, tpu.core_type = #tpu.core_type<tc>, window_params = [{transform_indices = @transform_0, window_bounds = array<i64: 2048, 1>}, {transform_indices = @transform_1, window_bounds = array<i64: 2048, 128>}, {transform_indices = @transform_2, window_bounds = array<i64: 2048, 32>}]} {
    %get3A = arith.constant 0 : index
    %get3A_0 = arith.constant 0 : index
    %get3A_1 = vector.load %arg1[%get3A, %get3A_0] : memref<2048x1xi32, #tpu.memory_space<vmem>>, vector<2048x1xi32>
    %get3A_2 = arith.constant 0 : index
    %get3A_3 = arith.constant 0 : index
    %get3A_4 = vector.load %arg2[%get3A_2, %get3A_3] : memref<2048x128xf32, #tpu.memory_space<vmem>>, vector<2048x128xf32>
    %and3A = arith.constant 3 : i32
    %and3A_5 = vector.broadcast %and3A : i32 to vector<2048x1xi32>
    %and3A_6 = arith.andi %get3A_1, %and3A_5 : vector<2048x1xi32>
    %broadcast_in_dim3A = arith.constant 0.000000e+00 : f32
    %broadcast_in_dim3A_7 = vector.broadcast %broadcast_in_dim3A : f32 to vector<2048x32xf32>
    %eq3A = arith.constant 0 : i32
    %eq3A_8 = vector.broadcast %eq3A : i32 to vector<2048x1xi32>
    %eq3A_9 = arith.cmpi eq, %and3A_6, %eq3A_8 : vector<2048x1xi32>
    %slice3A = vector.extract_strided_slice %get3A_4 {offsets = [0, 0], sizes = [2048, 32], strides = [1, 1]} : vector<2048x128xf32> to vector<2048x32xf32>
    %jit3A = arith.constant 0.000000e+00 : f32
    %broadcast_in_dim3A_10 = vector.shape_cast %eq3A_9 : vector<2048x1xi1> to vector<2048x1xi1>
    %broadcast_in_dim3A_11 = vector.broadcast %broadcast_in_dim3A_10 : vector<2048x1xi1> to vector<2048x32xi1>
    %broadcast_in_dim3A_12 = vector.broadcast %jit3A : f32 to vector<2048x32xf32>
    %select_n3A = arith.select %broadcast_in_dim3A_11, %slice3A, %broadcast_in_dim3A_12 : vector<2048x32xi1>, vector<2048x32xf32>
    %add3A = arith.addf %broadcast_in_dim3A_7, %select_n3A : vector<2048x32xf32>
    %eq3A_13 = arith.constant 1 : i32
    %eq3A_14 = vector.broadcast %eq3A_13 : i32 to vector<2048x1xi32>
    %eq3A_15 = arith.cmpi eq, %and3A_6, %eq3A_14 : vector<2048x1xi32>
    %slice3A_16 = vector.extract_strided_slice %get3A_4 {offsets = [0, 32], sizes = [2048, 32], strides = [1, 1]} : vector<2048x128xf32> to vector<2048x32xf32>
    %jit3A_17 = arith.constant 0.000000e+00 : f32
    %broadcast_in_dim3A_18 = vector.shape_cast %eq3A_15 : vector<2048x1xi1> to vector<2048x1xi1>
    %broadcast_in_dim3A_19 = vector.broadcast %broadcast_in_dim3A_18 : vector<2048x1xi1> to vector<2048x32xi1>
    %broadcast_in_dim3A_20 = vector.broadcast %jit3A_17 : f32 to vector<2048x32xf32>
    %select_n3A_21 = arith.select %broadcast_in_dim3A_19, %slice3A_16, %broadcast_in_dim3A_20 : vector<2048x32xi1>, vector<2048x32xf32>
    %add3A_22 = arith.addf %add3A, %select_n3A_21 : vector<2048x32xf32>
    %eq3A_23 = arith.constant 2 : i32
    %eq3A_24 = vector.broadcast %eq3A_23 : i32 to vector<2048x1xi32>
    %eq3A_25 = arith.cmpi eq, %and3A_6, %eq3A_24 : vector<2048x1xi32>
    %slice3A_26 = vector.extract_strided_slice %get3A_4 {offsets = [0, 64], sizes = [2048, 32], strides = [1, 1]} : vector<2048x128xf32> to vector<2048x32xf32>
    %jit3A_27 = arith.constant 0.000000e+00 : f32
    %broadcast_in_dim3A_28 = vector.shape_cast %eq3A_25 : vector<2048x1xi1> to vector<2048x1xi1>
    %broadcast_in_dim3A_29 = vector.broadcast %broadcast_in_dim3A_28 : vector<2048x1xi1> to vector<2048x32xi1>
    %broadcast_in_dim3A_30 = vector.broadcast %jit3A_27 : f32 to vector<2048x32xf32>
    %select_n3A_31 = arith.select %broadcast_in_dim3A_29, %slice3A_26, %broadcast_in_dim3A_30 : vector<2048x32xi1>, vector<2048x32xf32>
    %add3A_32 = arith.addf %add3A_22, %select_n3A_31 : vector<2048x32xf32>
    %eq3A_33 = arith.constant 3 : i32
    %eq3A_34 = vector.broadcast %eq3A_33 : i32 to vector<2048x1xi32>
    %eq3A_35 = arith.cmpi eq, %and3A_6, %eq3A_34 : vector<2048x1xi32>
    %slice3A_36 = vector.extract_strided_slice %get3A_4 {offsets = [0, 96], sizes = [2048, 32], strides = [1, 1]} : vector<2048x128xf32> to vector<2048x32xf32>
    %jit3A_37 = arith.constant 0.000000e+00 : f32
    %broadcast_in_dim3A_38 = vector.shape_cast %eq3A_35 : vector<2048x1xi1> to vector<2048x1xi1>
    %broadcast_in_dim3A_39 = vector.broadcast %broadcast_in_dim3A_38 : vector<2048x1xi1> to vector<2048x32xi1>
    %broadcast_in_dim3A_40 = vector.broadcast %jit3A_37 : f32 to vector<2048x32xf32>
    %select_n3A_41 = arith.select %broadcast_in_dim3A_39, %slice3A_36, %broadcast_in_dim3A_40 : vector<2048x32xi1>, vector<2048x32xf32>
    %add3A_42 = arith.addf %add3A_32, %select_n3A_41 : vector<2048x32xf32>
    %swap3A = arith.constant 0 : index
    %swap3A_43 = arith.constant 0 : index
    %swap3A_44 = vector.load %arg3[%swap3A, %swap3A_43] : memref<2048x32xf32, #tpu.memory_space<vmem>>, vector<2048x32xf32>
    tpu.vector_store %arg3[%swap3A, %swap3A_43], %add3A_42 {strides = array<i32>} : memref<2048x32xf32, #tpu.memory_space<vmem>>, vector<2048x32xf32>,
    return
  }
  func.func @transform_0(%arg0: i32) -> (i32, i32) {
    %c0_i32 = arith.constant 0 : i32
    %c0_i32_0 = arith.constant 0 : i32
    return %arg0, %c0_i32 : i32, i32
  }
  func.func @transform_1(%arg0: i32) -> (i32, i32) {
    %c0_i32 = arith.constant 0 : i32
    %c0_i32_0 = arith.constant 0 : i32
    return %arg0, %c0_i32 : i32, i32
  }
  func.func @transform_2(%arg0: i32) -> (i32, i32) {
    %c0_i32 = arith.constant 0 : i32
    %c0_i32_0 = arith.constant 0 : i32
    return %arg0, %c0_i32 : i32, i32
  }
}

</mosaic_0001>

<sc_bundles>
// kernel: kernel.5.cloned.1.call-start
scs
__scs_entry_jumppad:
0x0: {  	(pc) =	sbr.rel $0x88, $3  }
0x1: {  	(tag) =	ssettag $0x0;
	lr =	simm.s32 $0x1  }
0x2: {  	[smem:$0x3F91] =	sst lr;
	_ =	strace $0xD0000000  }
0x3: {  	_ = 	snop  }
0x4: {  	_ = 	snop  }
0x5: {  	_ = 	snop  }
0x6: {  	_ = 	snop  }
0x7: {  	_ = 	snop  }
__scs_overlays_trampoline_lowered:
0x8: {  	[smem:$0x3FA0] =	sst s0  }
0x9: {  	[smem:$0x3FA1] =	sst s1  }
0xa: {  	[smem:$0x3FA2] =	sst s2  }
0xb: {  	[smem:$0x3FA3] =	sst s3  }
0xc: {  	[smem:$0x3FA4] =	sst s4  }
0xd: {  	[smem:$0x3FA5] =	sst s5  }
0xe: {  	[smem:$0x3FA6] =	sst s6  }
0xf: {  	[smem:$0x3FA7] =	sst s7  }
0x10: {  	[smem:$0x3FA8] =	sst s8  }
0x11: {  	[smem:$0x3FA9] =	sst s9;
	s0 =	simm.s32 @!p0 $0x0  }
0x12: {  	s1 =	sld [smem:$0x3F8F];
	s0 =	simm.s32 @p0 $0x1  }
0x13: {  	[smem:$0x3FAA] =	sst s0;
	s0 =	simm.s32 @!p1 $0x0  }
0x14: {  	s2 =	sld [smem:$0x3F8E];
	s0 =	simm.s32 @p1 $0x1  }
0x15: {  	[smem:$0x3FAB] =	sst s0;
	s0 =	simm.s32 @!p2 $0x0  }
0x16: {  	s3 =	sld [smem:$0x3FDB];
	s0 =	simm.s32 @p2 $0x1  }
0x17: {  	s4 =	simm.s32 $0x1BF5;
	[smem:$0x3FAD] =	sst s0  }
0x18: {  	s0 =	sld [smem:$0x3F90];
	_ =	swait.ge [sflag:s4], $0x0  }
0x19: {  	s7 =	sld [smem:$0x3F91]  }
0x1a: {  	s8 =	sadd.s32 $0xFFFFE003, lr  }
0x1b: {  	s9 =	sadd.s32 $0xFFFFFEF7, lr;
	s5 =	simm.s32 $0xFFFFFFFF;
	p2 =	slt.u32 s8, $0xFFFFF086  }
0x1c: {  	p1 =	slt.u32 s9, $0xF7A;
	s5 =	simm.s32 @!p2 $0x0  }
0x1d: {  	s5 =	simm.s32 @p1 $0x1;
	p0 =	seq.s32 s7, s2  }
0x1e: {  	s7 =	smul.u32 @!p0 $0xF7A, s2;
	p2 =	seq.s32 @!p0 s5, $0x0  }
0x1f: {  	s9 =	smul.u32 $0xF7A, s1;
	s8 =	simm.s32 @!p0 $0x1BF5;
	p2 =	por !p2, p0  }
0x20: {  	[sflag:s8] =	ssyncset.s32 @!p0 $0xFFFFF086;
	s6 =	sadd.s32 @!p0 s3, s7;
	s7 =	simm.s32 @!p0 $0x108  }
0x21: {  	s3 =	sadd.s32 s3, s9;
	s6 =	sadd.s32 @!p0 $0x88, s6;
	s7 =	simm.s32 @p2 $0x1082  }
0x22: {  	[simem:s7], [sflag:s8] =	dma.local @!p0 [hbm:s6], $0xF7A  }
0x23: {  	s9 =	sor.u32 $0xD0000000, s2;
	s6 =	simm.s32 $0x108;
	_ =	swait.ge @!p0 [sflag:s8], $0x0  }
0x24: {  	s3 =	sadd.s32 $0x88, s3;
	s6 =	simm.s32 @!p1 $0x1082;
	[sflag:s4] =	ssyncset.s32 $0xFFFFF086  }
0x25: {  	[simem:s6], [sflag:s4] =	dma.local [hbm:s3], $0xF7A  }
0x26: {  	[smem:$0x3F91] =	sst s1;
	(tag) =	ssettag s2;
	_ =	strace s9  }
0x27: {  	s1 =	sld [smem:$0x3FA1]  }
0x28: {  	s2 =	sld [smem:$0x3FA2]  }
0x29: {  	s4 =	sld [smem:$0x3FA4]  }
0x2a: {  	p0 =	seq.s32 s5, $0x0;
	s5 =	sld [smem:$0x3FA5]  }
0x2b: {  	s6 =	sld [smem:$0x3FA6]  }
0x2c: {  	s7 =	sld [smem:$0x3FA7]  }
0x2d: {  	s3 =	simm.s32 $0x108;
	s8 =	sld [smem:$0x3FA8]  }
0x2e: {  	s3 =	simm.s32 @!p0 $0x1082;
	s9 =	sld [smem:$0x3FA9]  }
0x2f: {  	lr =	sadd.s32 s0, s3;
	s0 =	sld [smem:$0x3FA0]  }
0x30: {  	s3 =	sld [smem:$0x3FA3]  }
0x31: {  	[smem:$0x3FAC] =	sst s10  }
0x32: {  	s10 =	sld [smem:$0x3FAA];
	_ =	sdelay $0x3  }
0x33: {  	p0 =	seq.s32 s10, $0x1;
	s10 =	sld [smem:$0x3FAC];
	_ =	sdelay $0x3  }
0x34: {  	[smem:$0x3FAC] =	sst s10  }
0x35: {  	s10 =	sld [smem:$0x3FAB];
	_ =	sdelay $0x3  }
0x36: {  	p1 =	seq.s32 s10, $0x1;
	s10 =	sld [smem:$0x3FAC];
	_ =	sdelay $0x3  }
0x37: {  	[smem:$0x3FAC] =	sst s10  }
0x38: {  	s10 =	sld [smem:$0x3FAD]  }
0x39: {  	_ = 	snop;
	(pc) =	sbr.ind lr, $3  }
0x3a: {  	_ = 	snop  }
0x3b: {  	_ = 	snop  }
0x3c: {  	p2 =	seq.s32 s10, $0x1;
	s10 =	sld [smem:$0x3FAC]  }
0x3d: {  	_ =	shalt  }
0x3e: {  	_ =	shalt  }
0x3f: {  	_ =	shalt  }
0x40: {  	_ =	shalt  }
0x41: {  	_ =	shalt  }
0x42: {  	_ =	shalt  }
0x43: {  	_ =	shalt  }
0x44: {  	_ =	shalt  }
0x45: {  	_ =	shalt  }
0x46: {  	_ =	shalt  }
0x47: {  	_ =	shalt  }
0x48: {  	_ =	shalt  }
0x49: {  	_ =	shalt  }
0x4a: {  	_ =	shalt  }
0x4b: {  	_ =	shalt  }
0x4c: {  	_ =	shalt  }
0x4d: {  	_ =	shalt  }
0x4e: {  	_ =	shalt  }
0x4f: {  	_ =	shalt  }
0x50: {  	_ =	shalt  }
0x51: {  	_ =	shalt  }
0x52: {  	_ =	shalt  }
0x53: {  	_ =	shalt  }
0x54: {  	_ =	shalt  }
0x55: {  	_ =	shalt  }
0x56: {  	_ =	shalt  }
0x57: {  	_ =	shalt  }
0x58: {  	_ =	shalt  }
0x59: {  	_ =	shalt  }
0x5a: {  	_ =	shalt  }
0x5b: {  	_ =	shalt  }
0x5c: {  	_ =	shalt  }
0x5d: {  	_ =	shalt  }
0x5e: {  	_ =	shalt  }
0x5f: {  	_ =	shalt  }
0x60: {  	_ =	shalt  }
0x61: {  	_ =	shalt  }
0x62: {  	_ =	shalt  }
0x63: {  	_ =	shalt  }
0x64: {  	_ =	shalt  }
0x65: {  	_ =	shalt  }
0x66: {  	_ =	shalt  }
0x67: {  	_ =	shalt  }
0x68: {  	_ =	shalt  }
0x69: {  	_ =	shalt  }
0x6a: {  	_ =	shalt  }
0x6b: {  	_ =	shalt  }
0x6c: {  	_ =	shalt  }
0x6d: {  	_ =	shalt  }
0x6e: {  	_ =	shalt  }
0x6f: {  	_ =	shalt  }
0x70: {  	_ =	shalt  }
0x71: {  	_ =	shalt  }
0x72: {  	_ =	shalt  }
0x73: {  	_ =	shalt  }
0x74: {  	_ =	shalt  }
0x75: {  	_ =	shalt  }
0x76: {  	_ =	shalt  }
0x77: {  	_ =	shalt  }
0x78: {  	_ =	shalt  }
0x79: {  	_ =	shalt  }
0x7a: {  	_ =	shalt  }
0x7b: {  	_ =	shalt  }
0x7c: {  	_ =	shalt  }
0x7d: {  	_ =	shalt  }
0x7e: {  	_ =	shalt  }
0x7f: {  	_ =	shalt  }
0x80: {  	_ =	shalt  }
0x81: {  	_ =	shalt  }
0x82: {  	_ =	shalt  }
0x83: {  	_ =	shalt  }
0x84: {  	_ =	shalt  }
0x85: {  	_ =	shalt  }
0x86: {  	_ =	shalt  }
0x87: {  	_ =	shalt  }
.Lfunc_end0:
.L_simem_size_0:
called_computation_lowered:
.L_overlay_start_0:
0x88: {  	s2 =	sld [smem:$0x3FD9]  }
0x89: {  	s3 =	sld [smem:$0x3FFE];
	_ =	sdelay $0x1  }
0x8a: {  	s1 =	srdreg.scid  }
0x8b: {  	s0 =	sand.u32 $0x1, s1  }
0x8c: {  	s17 =	sshll.u32 s0, $0xA;
	s2 =	sadd.s32 s3, s2  }
0x8d: {  	s2 =	sadd.s32 s2, s17  }
0x8e: {  	[smem:$0x3FB8] =	sst s2  }
0x8f: {  	_ = 	snop  }
0x90: {  	s2 =	sld [smem:$0x3FC8];
	(tm) =	ssettm $0x1  }
0x91: {  	s18 =	sld [smem:$0x3FFB];
	_ =	sdelay $0x3  }
0x92: {  	_ =	strace s18  }
0x93: {  	s3 =	sld [smem:$0x3FFC];
	_ =	sdelay $0x3  }
0x94: {  	_ =	strace s3  }
0x95: {  	s3 =	sld [smem:$0x3FFD];
	_ =	sdelay $0x3  }
0x96: {  	_ =	strace s3  }
0x97: {  	_ =	strace $0x8FFFFFFF  }
0x98: {  	s19 =	sld [smem:$0x3FDB];
	_ =	sdelay $0x1  }
0x99: {  	s4 =	simm.s32 $_scs_section_size  }
0x9a: {  	s5 =	simm.s32 $_size__tile_overlayer_lowered;
	s6 =	simm.s32 $_tile_overlayer_lowered  }
0x9b: {  	s22 =	simm.s32 $0x1BFF;
	s21 =	sshll.u32 s6, $0x1;
	s3 =	sadd.s32 s4, s19  }
0x9c: {  	s7 =	simm.s32 $0x0;
	s20 =	sshll.u32 s5, $0x1;
	s5 =	sadd.s32 s21, s3  }
0x9d: {  	[timem:s7], [sflag:s22] =	dma.local [hbm:s5], s20  }
0x9e: {  	_ =	swait.ge [sflag:s22], s20  }
0x9f: {  	s4 =	ssub.s32 $0x0, s20;
	[sflag:s22] =	ssyncset.done $0x0  }
0xa0: {  	[sflag:s22] =	ssyncadd.s32 s4;
	_ =	sdelay $0x1  }
0xa1: {  	s23 =	simm.s32 $0x1B8B  }
0xa2: {  	_ =	swait.ge [sflag:s23], $0x1  }
0xa3: {  	[sflag:s23] =	ssyncset.done $0x0  }
0xa4: {  	s25 =	simm.s32 $0x1B8E;
	s24 =	sld [smem:$0x3FFE];
	[sflag:s23] =	ssyncadd.s32 $0xFFFFFFFF  }
0xa5: {  	s26 =	simm.s32 $execute0_lowered;
	[smem:$0x3FD2] =	sst s25  }
0xa6: {  	s5 =	sshll.u32 s26, $0x1;
	_ =	strace $0x80000046;
	[dreg:$0x1] =	wrdreg $0xFFFFFFFF  }
0xa7: {  	s28 =	simm.s32 $_size_execute0_lowered;
	s3 =	sadd.s32 s3, s5;
	[dreg:$0x0] =	wrdreg $0x0  }
0xa8: {  	s5 =	sshll.u32 s28, $0x1;
	[dreg:$0x2] =	wrdreg s3  }
0xa9: {  	[dreg:$0x3] =	wrdreg s5  }
0xaa: {  	[dreg:$0x4] =	wrdreg $0xC0  }
0xab: {  	_ =	task [dreg:s7], $0x5FFFF  }
0xac: {  	[dreg:$0x1] =	wrdreg $0xFFFFFFFF  }
0xad: {  	[dreg:$0x0] =	wrdreg $0x60  }
0xae: {  	[dreg:$0x2] =	wrdreg s2  }
0xaf: {  	[dreg:$0x3] =	wrdreg s24  }
0xb0: {  	[dreg:$0x4] =	wrdreg $0x9  }
0xb1: {  	_ =	task.clear_ibuf [dreg:s7], $0x5FFFF;
	_ =	strace $0x90000046  }
0xb2: {  	s29 =	simm.s32 $0x9;
	_ =	strace $0x80000048  }
0xb3: {  	_ =	swait.ge [sflag:s29], $0x1  }
0xb4: {  	[sflag:s29] =	ssyncadd.s32 $0xFFFFFFFF  }
0xb5: {  	_ =	strace $0x90000048  }
0xb6: {  	_ =	sfence  }
0xb7: {  	s30 =	sld [smem:$0x0];
	_ =	sdelay $0x2  }
0xb8: {  	s31 =	sshll.u32 s1, $0xD;
	s1 =	sshrl.u32 s1, $0x2  }
0xb9: {  	s3 =	sand.u32 $0x4000, s31;
	s1 =	sadd.s32 s1, s30  }
0xba: {  	s0 =	sor.u32 s3, s0;
	s1 =	sshll.u32 s1, $0x11  }
0xbb: {  	s0 =	sor.u32 s1, s0  }
0xbc: {  	s0 =	sadd.s32 $0x8F2B, s0  }
0xbd: {  	[sflag:s0] =	ssyncadd.remote.s32 $0x1  }
0xbe: {  	_ =	sfence.sel $0xFFFF  }
0xbf: {  	[dreg:$0x0] =	wrdreg $0xFFFFFFFF;
	(pc) =	sbr.abs _section_cstart, $3  }
0xc0: {  	[dreg:$0x1] =	wrdreg $0xFFFFFFFF  }
0xc1: {  	_ =	task.clear_ibuf [dreg:s7], $0x2FFFF;
	_ =	strace $0x9FFFFFFF  }
0xc2: {  	(tm) =	ssettm $0x7FFFFFFF  }
0xc3: {  	_ =	shalt  }
tec
execute0_lowered:
.L_overlay_start_1:
0x0: {  	(tag) =	ssettag $0x1  }
0x1: {  	s4 =	rddreg [dreg:$0x0]  }
0x2: {  	s5 =	rddreg [dreg:$0x1]  }
0x3: {  	s0 =	rddreg [dreg:$0x2];
	s2 =	simm.s32 $0x0;
	s3 =	srdreg.scid  }
0x4: {  	s1 =	stileid.u32;
	[smem:$0x7FF] =	sst s2  }
0x5: {  	s6 =	sand.u32 $0x1, s3;
	s3 =	sadd.s32 $0x2200, s5;
	s8 =	sshll.u32 s1, $0x1  }
0x6: {  	s5 =	sadd.s32 $0x42200, s5;
	s7 =	ssub.s32 $0x2, s6;
	s6 =	sor.u32 s6, s8  }
0x7: {  	_ =	strace $0x80000047;
	s9 =	sshrl.u32 s7, $0x1;
	s8 =	sshll.u32 s6, $0x8  }
0x8: {  	s23 =	sshll.u32 s6, $0x5;
	s6 =	sshll.u32 s6, $0xC;
	s7 =	ssub.s32 s7, s9  }
0x9: {  	s13 =	sadd.s32 s4, s23;
	s24 =	sor.u32 $0x10, s8;
	s10 =	sor.u32 $0x20, s8  }
0xa: {  	s11 =	sor.u32 $0x30, s8;
	s12 =	sor.u32 $0x40, s8;
	s14 =	sor.u32 $0x50, s8  }
0xb: {  	s15 =	sor.u32 $0x60, s8;
	s16 =	sor.u32 $0x70, s8;
	s4 =	simm.s32 $0x2  }
0xc: {  	[tilespmem:s2], [sflag:$0x2] =	stream.linear.gather [hbm4b:s13+s2], $0x100, $0x38;
	[tilespmem:$0x8200] =	vst v63  }
0xd: {  	s17 =	sor.u32 $0x80, s8;
	s18 =	sor.u32 $0x90, s8;
	_ =	swait.ge [sflag:s4], $0x100  }
0xe: {  	v15 =	vlaneseq.u32;
	s19 =	sor.u32 $0xA0, s8;
	s31 =	smax.u32 s7, $0x1;
	[sflag:s4] =	ssyncset.done $0x0  }
0xf: {  	s20 =	sor.u32 $0xB0, s8;
	v1 =	vor.u32 s8, v15;
	p0 =	sne.s32 s31, $0x1;
	[sflag:s4] =	ssyncadd.s32 $0xFFFFFF00  }
.Ltmp0:
0x10: {  	s25 =	sor.u32 $0xC0, s8;
	s26 =	sor.u32 $0xD0, s8;
	v0 =	vor.u32 s24, v15;
	v12 =	vor.u32 s10, v15;
	v8 =	vor.u32 s11, v15;
	v16 =	vld [tilespmem:$0x40];
	(pc) =	sbr.rel @!p0 .LBB2_2-.Ltmp0, $4  }
0x11: {  	s6 =	sadd.s32 s5, s6;
	s29 =	sor.u32 $0xE0, s8;
	s30 =	sor.u32 $0xF0, s8;
	v13 =	vor.u32 s12, v15;
	v11 =	vor.u32 s14, v15;
	v3 =	vor.u32 s15, v15;
	v19 =	vld [tilespmem:$0xF0]  }
0x12: {  	s8 =	simm.s32 $0x100;
	s9 =	simm.s32 $0x200;
	s28 =	sshll.u32 s17, $0x4;
	v10 =	vor.u32 s16, v15;
	v6 =	vor.u32 s17, v15;
	v9 =	vor.u32 s18, v15;
	v18 =	vld [tilespmem:$0x20]  }
0x13: {  	s7 =	simm.s32 $0x80;
	v7 =	vor.u32 s19, v15;
	v2 =	vor.u32 s20, v15;
	v4 =	vor.u32 s25, v15;
	s12 =	simm.s32 $0x180;
	s10 =	simm.s32 $0x4200;
	v20 =	vld [tilespmem:$0xE0]  }
0x14: {  	v5 =	vor.u32 s26, v15;
	v14 =	vor.u32 s29, v15;
	v15 =	vor.u32 s30, v15;
	s11 =	simm.s32 $0x1;
	s5 =	sadd.s32 s5, s28;
	s14 =	sadd.s32 $0xFFFFFFFF, s31;
	v17 =	vld [tilespmem:$0x30]  }
.LBB2_1:
0x15: {  	p0 =	sne.s32 s14, $0x1;
	s14 =	sadd.s32 $0xFFFFFFFF, s14;
	v16 =	vshll.u32 v16, $0xB;
	v21 =	vld [tilespmem:$0x50]  }
0x16: {  	v22 =	vld [tilespmem:$0x10];
	v16 =	vand.u32 $0xFFFFE000, v16;
	v19 =	vshll.u32 v19, $0xB  }
0x17: {  	v18 =	vshll.u32 v18, $0xB;
	v16 =	vadd.s32 v16, v13  }
0x18: {  	v19 =	vand.u32 $0xFFFFE000, v19;
	v18 =	vand.u32 $0xFFFFE000, v18;
	v23 =	vld [tilespmem:$0x70];
	v20 =	vshll.u32 v20, $0xB  }
0x19: {  	v19 =	vadd.s32 v19, v15;
	v18 =	vadd.s32 v18, v12;
	v17 =	vshll.u32 v17, $0xB;
	v24 =	vld [tilespmem:$0x90]  }
0x1a: {  	v20 =	vand.u32 $0xFFFFE000, v20;
	v17 =	vand.u32 $0xFFFFE000, v17;
	v21 =	vshll.u32 v21, $0xB;
	v25 =	vld [tilespmem:$0x80];
	[tilespmem:$0x1F0] =	vst v19  }
0x1b: {  	v20 =	vadd.s32 v20, v14;
	v19 =	vshll.u32 v22, $0xB;
	v17 =	vadd.s32 v17, v8;
	[tilespmem:$0x140] =	vst v16;
	v16 =	vld [tilespmem:$0xA0]  }
0x1c: {  	v21 =	vand.u32 $0xFFFFE000, v21;
	v19 =	vand.u32 $0xFFFFE000, v19;
	v22 =	vld [tilespmem:$0x60];
	[tilespmem:$0x1E0] =	vst v20  }
0x1d: {  	v20 =	vld [tilespmem:$0x0];
	v19 =	vadd.s32 v19, v0;
	[tilespmem:$0x120] =	vst v18;
	v18 =	vadd.s32 v21, v11;
	v21 =	vshll.u32 v23, $0xB  }
0x1e: {  	[tilespmem:$0x150] =	vst v18;
	v18 =	vand.u32 $0xFFFFE000, v21;
	v21 =	vshll.u32 v24, $0xB;
	v23 =	vld [tilespmem:$0xB0]  }
0x1f: {  	[tilespmem:$0x130] =	vst v17;
	v17 =	vadd.s32 v18, v10;
	v18 =	vshll.u32 v25, $0xB;
	v21 =	vand.u32 $0xFFFFE000, v21;
	v24 =	vld [tilespmem:$0xD0]  }
0x20: {  	[tilespmem:$0x170] =	vst v17;
	v17 =	vand.u32 $0xFFFFE000, v18;
	v18 =	vadd.s32 v21, v9;
	v16 =	vshll.u32 v16, $0xB;
	v21 =	vld [tilespmem:$0xC0]  }
0x21: {  	v22 =	vshll.u32 v22, $0xB;
	v17 =	vadd.s32 v17, v6;
	[tilespmem:$0x190] =	vst v18;
	v16 =	vand.u32 $0xFFFFE000, v16  }
0x22: {  	v18 =	vshll.u32 v20, $0xB;
	v20 =	vand.u32 $0xFFFFE000, v22;
	[tilespmem:$0x180] =	vst v17;
	v16 =	vadd.s32 v16, v7  }
0x23: {  	v17 =	vand.u32 $0xFFFFE000, v18;
	v18 =	vadd.s32 v20, v3;
	[tilespmem:$0x1A0] =	vst v16  }
0x24: {  	v16 =	vor.u32 v17, v1;
	[tilespmem:$0x160] =	vst v18;
	v17 =	vshll.u32 v24, $0xB  }
0x25: {  	v18 =	vshll.u32 v23, $0xB;
	[tilespmem:$0x110] =	vst v19;
	v19 =	vshll.u32 v21, $0xB;
	v17 =	vand.u32 $0xFFFFE000, v17  }
0x26: {  	[tilespmem:$0x100] =	vst v16;
	v16 =	vand.u32 $0xFFFFE000, v18;
	v18 =	vand.u32 $0xFFFFE000, v19;
	v17 =	vadd.s32 v17, v5  }
0x27: {  	v16 =	vadd.s32 v16, v2;
	v18 =	vadd.s32 v18, v4;
	[tilespmem:$0x1D0] =	vst v17  }
0x28: {  	[tilespmem:$0x1C0] =	vst v18  }
0x29: {  	[tilespmem:$0x1B0] =	vst v16  }
0x2a: {  	[tilespmem:s9], [sflag:$0x1] =	stream.indirect.gather [hbm4b:s3+s7], $0x80, s8, s7, $0xb8;
	[tilespmem:$0x8200] =	vst v63  }
0x2b: {  	_ = 	snop  }
0x2c: {  	[tilespmem:s10], [sflag:$0x1] =	stream.indirect.gather [hbm4b:s3+s7], $0x80, s12, s7, $0xb8;
	[tilespmem:$0x8200] =	vst v63  }
0x2d: {  	_ =	swait.ge [sflag:s11], $0x4000  }
0x2e: {  	[sflag:s11] =	ssyncset.done $0x0  }
0x2f: {  	[sflag:s11] =	ssyncadd.s32 $0xFFFFC000  }
0x30: {  	[hbm4b:s6+s2] =	stream.linear.scatter [tilespmem:s9], [sflag:$0x2], $0x4000, $0x38;
	[tilespmem:$0x8200] =	vst v63  }
0x31: {  	_ =	swait.ge [sflag:s4], $0x4000  }
0x32: {  	[sflag:s4] =	ssyncset.done $0x0  }
0x33: {  	[sflag:s4] =	ssyncadd.s32 $0xFFFFC000  }
0x34: {  	_ =	swait.ge [sflag:s11], $0x4000  }
0x35: {  	[sflag:s11] =	ssyncset.done $0x0  }
0x36: {  	[sflag:s11] =	ssyncadd.s32 $0xFFFFC000  }
0x37: {  	[hbm4b:s5+s2] =	stream.linear.scatter [tilespmem:s10], [sflag:$0x2], $0x4000, $0x38;
	[tilespmem:$0x8200] =	vst v63  }
0x38: {  	_ =	swait.ge [sflag:s4], $0x4000  }
0x39: {  	[sflag:s4] =	ssyncset.done $0x0  }
0x3a: {  	[sflag:s4] =	ssyncadd.s32 $0xFFFFC000  }
0x3b: {  	[tilespmem:s2], [sflag:$0x2] =	stream.linear.gather [hbm4b:s13+s2], $0x100, $0x38;
	[tilespmem:$0x8200] =	vst v63  }
0x3c: {  	_ =	swait.ge [sflag:s4], $0x100  }
0x3d: {  	[sflag:s4] =	ssyncset.done $0x0  }
0x3e: {  	[sflag:s4] =	ssyncadd.s32 $0xFFFFFF00  }
.Ltmp1:
0x3f: {  	v16 =	vld [tilespmem:$0x40];
	(pc) =	sbr.rel @p0 .LBB2_1-.Ltmp1, $4  }
0x40: {  	v19 =	vld [tilespmem:$0xF0]  }
0x41: {  	v18 =	vld [tilespmem:$0x20]  }
0x42: {  	v20 =	vld [tilespmem:$0xE0]  }
0x43: {  	v17 =	vld [tilespmem:$0x30]  }
.LBB2_2:
0x44: {  	v21 =	vld [tilespmem:$0x50];
	v16 =	vshll.u32 v16, $0xB  }
0x45: {  	v22 =	vld [tilespmem:$0x70];
	v19 =	vshll.u32 v19, $0xB;
	v16 =	vand.u32 $0xFFFFE000, v16  }
0x46: {  	v29 =	vld [tilespmem:$0x90];
	v19 =	vand.u32 $0xFFFFE000, v19;
	v18 =	vshll.u32 v18, $0xB;
	v13 =	vadd.s32 v16, v13  }
0x47: {  	v30 =	vld [tilespmem:$0x80];
	v20 =	vshll.u32 v20, $0xB;
	v15 =	vadd.s32 v19, v15;
	v31 =	vand.u32 $0xFFFFE000, v18;
	[tilespmem:$0x140] =	vst v13  }
0x48: {  	v33 =	vld [tilespmem:$0xA0];
	v20 =	vand.u32 $0xFFFFE000, v20;
	[tilespmem:$0x1F0] =	vst v15;
	v12 =	vadd.s32 v31, v12;
	v34 =	vshll.u32 v17, $0xB  }
0x49: {  	v36 =	vld [tilespmem:$0x60];
	v32 =	vshll.u32 v21, $0xB;
	v14 =	vadd.s32 v20, v14;
	v15 =	vand.u32 $0xFFFFE000, v34;
	[tilespmem:$0x120] =	vst v12  }
0x4a: {  	v37 =	vld [tilespmem:$0x10];
	v38 =	vshll.u32 v22, $0xB;
	v35 =	vand.u32 $0xFFFFE000, v32;
	[tilespmem:$0x1E0] =	vst v14;
	v8 =	vadd.s32 v15, v8  }
0x4b: {  	v39 =	vld [tilespmem:$0x0];
	v41 =	vshll.u32 v29, $0xB;
	v40 =	vand.u32 $0xFFFFE000, v38;
	v11 =	vadd.s32 v35, v11;
	[tilespmem:$0x130] =	vst v8  }
0x4c: {  	v49 =	vld [tilespmem:$0xB0];
	v43 =	vshll.u32 v30, $0xB;
	v44 =	vand.u32 $0xFFFFE000, v41;
	v42 =	vadd.s32 v40, v10;
	[tilespmem:$0x150] =	vst v11  }
0x4d: {  	v45 =	vld [tilespmem:$0xD0];
	v47 =	vshll.u32 v33, $0xB;
	v46 =	vand.u32 $0xFFFFE000, v43;
	v9 =	vadd.s32 v44, v9;
	[tilespmem:$0x170] =	vst v42  }
0x4e: {  	v48 =	vld [tilespmem:$0xC0];
	v50 =	vshll.u32 v36, $0xB;
	v51 =	vand.u32 $0xFFFFE000, v47;
	v6 =	vadd.s32 v46, v6;
	[tilespmem:$0x190] =	vst v9  }
0x4f: {  	v52 =	vshll.u32 v37, $0xB;
	v53 =	vand.u32 $0xFFFFE000, v50;
	v54 =	vadd.s32 v51, v7;
	[tilespmem:$0x180] =	vst v6  }
0x50: {  	v56 =	vshll.u32 v39, $0xB;
	v55 =	vand.u32 $0xFFFFE000, v52;
	v3 =	vadd.s32 v53, v3;
	[tilespmem:$0x1A0] =	vst v54  }
0x51: {  	v60 =	vshll.u32 v49, $0xB;
	v57 =	vand.u32 $0xFFFFE000, v56;
	v0 =	vadd.s32 v55, v0;
	[tilespmem:$0x160] =	vst v3  }
0x52: {  	v58 =	vshll.u32 v45, $0xB;
	v62 =	vand.u32 $0xFFFFE000, v60;
	v1 =	vor.u32 v57, v1;
	[tilespmem:$0x110] =	vst v0  }
0x53: {  	v59 =	vshll.u32 v48, $0xB;
	v63 =	vadd.s32 v62, v2;
	v3 =	vand.u32 $0xFFFFE000, v58;
	[tilespmem:$0x100] =	vst v1  }
0x54: {  	v0 =	vand.u32 $0xFFFFE000, v59;
	[tilespmem:$0x1B0] =	vst v63;
	v61 =	vadd.s32 v3, v5  }
0x55: {  	v0 =	vadd.s32 v0, v4;
	[tilespmem:$0x1D0] =	vst v61  }
0x56: {  	[tilespmem:$0x1C0] =	vst v0  }
0x57: {  	[tilespmem:s9], [sflag:$0x1] =	stream.indirect.gather [hbm4b:s3+s7], $0x80, s8, s7, $0xb8;
	[tilespmem:$0x8200] =	vst v63  }
0x58: {  	_ = 	snop  }
0x59: {  	[tilespmem:s10], [sflag:$0x1] =	stream.indirect.gather [hbm4b:s3+s7], $0x80, s12, s7, $0xb8;
	[tilespmem:$0x8200] =	vst v63  }
0x5a: {  	_ =	swait.ge [sflag:s11], $0x4000  }
0x5b: {  	[sflag:s11] =	ssyncset.done $0x0  }
0x5c: {  	[sflag:s11] =	ssyncadd.s32 $0xFFFFC000  }
0x5d: {  	[hbm4b:s6+s2] =	stream.linear.scatter [tilespmem:s9], [sflag:$0x2], $0x4000, $0x38;
	[tilespmem:$0x8200] =	vst v63  }
0x5e: {  	_ =	swait.ge [sflag:s4], $0x4000  }
0x5f: {  	[sflag:s4] =	ssyncset.done $0x0  }
0x60: {  	[sflag:s4] =	ssyncadd.s32 $0xFFFFC000  }
0x61: {  	_ =	swait.ge [sflag:s11], $0x4000  }
0x62: {  	[sflag:s11] =	ssyncset.done $0x0  }
0x63: {  	[sflag:s11] =	ssyncadd.s32 $0xFFFFC000  }
0x64: {  	[hbm4b:s5+s2] =	stream.linear.scatter [tilespmem:s10], [sflag:$0x2], $0x4000, $0x38;
	[tilespmem:$0x8200] =	vst v63  }
0x65: {  	_ =	swait.ge [sflag:s4], $0x4000  }
0x66: {  	[sflag:s4] =	ssyncset.done $0x0  }
0x67: {  	[sflag:s4] =	ssyncadd.s32 $0xFFFFC000  }
0x68: {  	_ =	sfence.sel $0x180000  }
0x69: {  	[bflag:$0x0] =	sbarrier.arrive $0xFFFF  }
0x6a: {  	p0 =	sne.s32 s1, $0x0;
	_ =	strace $0x90000047  }
0x6b: {  	s0 =	sadd.s32 @!p0 $0x100000, s0;
	[bflag:$0x2] =	sbarrier.arrive $0xFFFF  }
0x6c: {  	[sflag:s0] =	ssyncadd.tile.s32 @!p0 $0x1;
	_ =	shalt  }
.Lfunc_end2:
_tile_overlayer_lowered:
.L_overlay_start_2:
0x6d: {  	(tag) =	ssettag $0x2  }
0x6e: {  	s0 =	rddreg [dreg:$0x0];
	s2 =	stileid.u32  }
0x6f: {  	s1 =	rddreg [dreg:$0x1];
	p0 =	sne.s32 s2, $0x0  }
0x70: {  	s3 =	rddreg [dreg:$0x2];
	[bflag:$0x3] =	sbarrier.arrive $0xFFFF;
	s2 =	simm.s32 @!p0 $0x1C02  }
0x71: {  	[timem:s3], [sflag:s2] =	dma.local @!p0 [hbm:s0], s1  }
0x72: {  	s0 =	simm.s32 @!p0 $0x2  }
0x73: {  	_ =	swait.ge @!p0 [sflag:s0], s1  }
0x74: {  	s1 =	ssub.s32 @!p0 $0x0, s1;
	[sflag:s0] =	ssyncset.done @!p0 $0x0  }
0x75: {  	[sflag:s0] =	ssyncadd.s32 @!p0 s1  }
0x76: {  	[bflag:$0x3] =	sbarrier.arrive $0xFFFF  }
0x77: {  	_ =	shalt  }

</sc_bundles>
